<compile_context>
chip_gen: v7x
topology: tpu7x:2x2x1
jax: 0.10.2.dev20260603
libtpu: 0.0.44.dev20260713+nightly
codegen_flags: <defaults>
</compile_context>

<pallas_src>
import jax
import jax.numpy as jnp
from jax import lax
from jax.experimental import pallas as pl
from jax.experimental.pallas import tpu as pltpu

T = 2048
D = 1024
E = 8
B = 128
NB = T // B
NBUF = 3
CK = 8
MK = 2


def _gates_mask_kernel(x_ref, w_ref, gates_ref, ent_ref, mask_ref,
                       gsc, mbuf, msem):
    i = pl.program_id(0)
    b = lax.rem(i, NBUF)

    @pl.when(i == 0)
    def _compute_gates():
        x = x_ref[...]
        w = w_ref[...]
        logits = lax.dot_general(x, w, (((1,), (1,)), ((), ())),
                                 preferred_element_type=jnp.float32)
        m = jnp.max(logits, axis=1, keepdims=True)
        ex = jnp.exp(logits - m)
        g = ex / jnp.sum(ex, axis=1, keepdims=True)
        gates_ref[...] = g
        gsc[...] = g
        ent = -jnp.sum(g * jnp.log(g + 1e-9), axis=1)
        ent_ref[0, 0] = jnp.sum(ent) / jnp.float32(T)

    def sub_copies(buf_idx, step):
        bk = B // MK
        return [
            pltpu.make_async_copy(
                mbuf.at[buf_idx, pl.ds(k * bk, bk)],
                mask_ref.at[pl.ds(step * B + k * bk, bk)],
                msem.at[buf_idx],
            )
            for k in range(MK)
        ]

    @pl.when(i >= NBUF)
    def _reclaim():
        for c in sub_copies(b, i - NBUF):
            c.wait()

    g = gsc[pl.ds(i * B, B), :]
    mbuf[b] = jnp.zeros((B, E * T), jnp.int8)
    row2 = lax.broadcasted_iota(jnp.int32, (B, B), 0)
    col2 = lax.broadcasted_iota(jnp.int32, (B, B), 1)
    d2 = row2 == col2
    for e in range(E):
        ge = g[:, e][:, None]
        mbuf[b, :, pl.ds(e * T + i * B, B)] = jnp.logical_and(
            d2, ge != 0.0).astype(jnp.int8)
    for c in sub_copies(b, i):
        c.start()

    @pl.when(i == NB - 1)
    def _drain():
        for s in range(NB - NBUF, NB):
            for c in sub_copies(s % NBUF, s):
                c.wait()


def _diag_kernel(gates_ref, comb_ref, cbuf, csem):
    i = pl.program_id(0)
    b = lax.rem(i, NBUF)

    def sub_copies(buf_idx, step):
        bk = B // CK
        return [
            pltpu.make_async_copy(
                cbuf.at[buf_idx, pl.ds(k * bk, bk)],
                comb_ref.at[pl.ds(step * B + k * bk, bk)],
                csem.at[buf_idx],
            )
            for k in range(CK)
        ]

    @pl.when(i >= NBUF)
    def _reclaim():
        for c in sub_copies(b, i - NBUF):
            c.wait()
        cbuf[b, :, :, pl.ds((i - NBUF) * B, B)] = jnp.zeros(
            (B, E, B), jnp.float32)

    @pl.when(i < NBUF)
    def _init():
        cbuf[b] = jnp.zeros((B, E, T), jnp.float32)

    g = gates_ref[pl.ds(i * B, B), :]
    row = lax.broadcasted_iota(jnp.int32, (B, E, B), 0)
    col = lax.broadcasted_iota(jnp.int32, (B, E, B), 2)
    d = row == col
    gb = g[:, :, None]
    cbuf[b, :, :, pl.ds(i * B, B)] = jnp.where(d, gb, 0.0)
    for c in sub_copies(b, i):
        c.start()

    @pl.when(i == NB - 1)
    def _drain():
        for s in range(NB - NBUF, NB):
            for c in sub_copies(s % NBUF, s):
                c.wait()


def kernel(input, W):
    gates, ent, mask_i8 = pl.pallas_call(
        _gates_mask_kernel,
        grid=(NB,),
        in_specs=(
            pl.BlockSpec(memory_space=pltpu.VMEM),
            pl.BlockSpec(memory_space=pltpu.VMEM),
        ),
        out_specs=(
            pl.BlockSpec(memory_space=pltpu.VMEM),
            pl.BlockSpec(memory_space=pltpu.SMEM),
            pl.BlockSpec(memory_space=pl.ANY),
        ),
        out_shape=(
            jax.ShapeDtypeStruct((T, E), jnp.float32),
            jax.ShapeDtypeStruct((1, 1), jnp.float32),
            jax.ShapeDtypeStruct((T, E * T), jnp.int8),
        ),
        scratch_shapes=[
            pltpu.VMEM((T, E), jnp.float32),
            pltpu.VMEM((NBUF, B, E * T), jnp.int8),
            pltpu.SemaphoreType.DMA((NBUF,)),
        ],
    )(input, W)

    mask = mask_i8.astype(jnp.bool_).reshape(T, E, T)

    comb = pl.pallas_call(
        _diag_kernel,
        grid=(NB,),
        in_specs=(pl.BlockSpec(memory_space=pltpu.VMEM),),
        out_specs=pl.BlockSpec(memory_space=pl.ANY),
        out_shape=jax.ShapeDtypeStruct((T, E, T), jnp.float32),
        scratch_shapes=[
            pltpu.VMEM((NBUF, B, E, T), jnp.float32),
            pltpu.SemaphoreType.DMA((NBUF,)),
        ],
    )(gates)

    l_aux = jnp.zeros((1,), dtype=jnp.float32)
    return (l_aux, comb, mask, ent[0, 0])

# --- scband reference (transcript-rebuilt; emitter-appended) ---
"""Pipeline reference for scband-top-kgate-19292993094136 (READ-ONLY COPY).

The authoritative reference and input builder live on the scoring server;
editing this copy changes nothing except your own understanding.
"""

import jax, jax.numpy as jnp
import numpy as np

NUM_TOKENS = 2048
MODEL_DIM = 1024
NUM_EXPERTS = 8


def setup_inputs(seed: int = 0) -> dict:
    key = jax.random.key(seed)
    k1, k2 = jax.random.split(key)
    x = jax.random.normal(k1, (NUM_TOKENS, MODEL_DIM), dtype=jnp.float32)
    # wg: torch.nn.Linear(model_dim, num_experts, bias=False) -> weight [num_experts, model_dim]
    bound = 1.0 / np.sqrt(MODEL_DIM)
    W = jax.random.uniform(k2, (NUM_EXPERTS, MODEL_DIM), dtype=jnp.float32, minval=-bound, maxval=bound)
    return {"input": x, "W": W}


def reference(input, W):
    # logits = self.wg(input)
    logits = input @ W.T  # [T, E]
    # topkgating with topk == num_experts, gumbel_temperature == 0 path:
    gates = jax.nn.softmax(logits, axis=1)  # [T, E]
    l_aux = jnp.zeros((1,), dtype=gates.dtype)
    # metadata['entropy_gating'] = entropy(probs=gates).mean()
    ent = -jnp.sum(gates * jnp.log(gates + 1e-9), axis=1)
    entropy_gating = jnp.mean(ent)
    # combine_sec = torch.diag_embed(gates.permute(1,0)).permute(1,0,2) -> [T, E, T]
    # combine_sec[i, e, j] = gates[i, e] if i == j else 0
    T = gates.shape[0]
    eye = jnp.eye(T, dtype=gates.dtype)
    combine_sec = gates[:, :, None] * eye[:, None, :]  # [T, E, T]
    dispatch_mask = combine_sec.astype(bool)
    return (l_aux, combine_sec, dispatch_mask, entropy_gating)

if __name__ == "__main__":
    import jax
    _d = setup_inputs()
    print(jax.jit(kernel)(*tuple(_d.values())))

</pallas_src>

<mosaic_0001>
module attributes {stable_mosaic.version = 14 : i64} {
  func.func @_diag_kernel(%arg0: i32, %arg1: memref<2048x8xf32, #tpu.memory_space<vmem>>, %arg2: memref<2048x8x2048xf32, #tpu.memory_space<any>>, %arg3: memref<3x128x8x2048xf32, #tpu.memory_space<vmem>>, %arg4: memref<3x!tpu.dma_semaphore, #tpu.memory_space<semaphore_mem>>) attributes {dimension_semantics = [#tpu.dimension_semantics<arbitrary>], iteration_bounds = array<i64: 16>, scalar_prefetch = 0 : i64, scratch_operands = 2 : i64, tpu.core_type = #tpu.core_type<tc>, window_params = [{pipeline_mode = #tpu.pipeline_mode<synchronous>, transform_indices = @transform_0, window_bounds = array<i64: 2048, 8>}, {}]} {
    %rem3A = arith.constant 3 : i32
    %rem3A_0 = arith.remsi %arg0, %rem3A : i32
    %ge3A = arith.constant 3 : i32
    %ge3A_1 = arith.cmpi sge, %arg0, %ge3A : i32
    %convert_element_type3A = arith.extui %ge3A_1 : i1 to i32
    %cond3A = arith.constant 0 : i32
    %cond3A_2 = arith.cmpi ne, %convert_element_type3A, %cond3A : i32
    scf.if %cond3A_2 {
      %sub3A = arith.constant 3 : i32
      %sub3A_137 = arith.subi %arg0, %sub3A : i32
      %mul3A_138 = arith.constant 128 : i32
      %mul3A_139 = arith.muli %sub3A_137, %mul3A_138 : i32
      %add3A_140 = arith.constant 0 : i32
      %add3A_141 = arith.addi %mul3A_139, %add3A_140 : i32
      %mul3A_142 = arith.constant 128 : i32
      %mul3A_143 = arith.muli %sub3A_137, %mul3A_142 : i32
      %add3A_144 = arith.constant 16 : i32
      %add3A_145 = arith.addi %mul3A_143, %add3A_144 : i32
      %mul3A_146 = arith.constant 128 : i32
      %mul3A_147 = arith.muli %sub3A_137, %mul3A_146 : i32
      %add3A_148 = arith.constant 32 : i32
      %add3A_149 = arith.addi %mul3A_147, %add3A_148 : i32
      %mul3A_150 = arith.constant 128 : i32
      %mul3A_151 = arith.muli %sub3A_137, %mul3A_150 : i32
      %add3A_152 = arith.constant 48 : i32
      %add3A_153 = arith.addi %mul3A_151, %add3A_152 : i32
      %mul3A_154 = arith.constant 128 : i32
      %mul3A_155 = arith.muli %sub3A_137, %mul3A_154 : i32
      %add3A_156 = arith.constant 64 : i32
      %add3A_157 = arith.addi %mul3A_155, %add3A_156 : i32
      %mul3A_158 = arith.constant 128 : i32
      %mul3A_159 = arith.muli %sub3A_137, %mul3A_158 : i32
      %add3A_160 = arith.constant 80 : i32
      %add3A_161 = arith.addi %mul3A_159, %add3A_160 : i32
      %mul3A_162 = arith.constant 128 : i32
      %mul3A_163 = arith.muli %sub3A_137, %mul3A_162 : i32
      %add3A_164 = arith.constant 96 : i32
      %add3A_165 = arith.addi %mul3A_163, %add3A_164 : i32
      %mul3A_166 = arith.constant 128 : i32
      %mul3A_167 = arith.muli %sub3A_137, %mul3A_166 : i32
      %add3A_168 = arith.constant 112 : i32
      %add3A_169 = arith.addi %mul3A_167, %add3A_168 : i32
      %dma_wait3A = tpu.memref_slice %arg4[%rem3A_0] : memref<3x!tpu.dma_semaphore, #tpu.memory_space<semaphore_mem>> -> memref<1x!tpu.dma_semaphore, #tpu.memory_space<semaphore_mem>>
      %dma_wait3A_170 = tpu.memref_squeeze %dma_wait3A : memref<1x!tpu.dma_semaphore, #tpu.memory_space<semaphore_mem>> -> memref<!tpu.dma_semaphore, #tpu.memory_space<semaphore_mem>>
      %dma_wait3A_171 = arith.constant 0 : i32
      %dma_wait3A_172 = arith.constant 0 : i32
      %dma_wait3A_173 = tpu.memref_slice %arg2[%add3A_141, %dma_wait3A_171, %dma_wait3A_172] : memref<2048x8x2048xf32, #tpu.memory_space<any>> -> memref<16x8x2048xf32, #tpu.memory_space<any>>
      %dma_wait3A_174 = arith.constant 0 : i32
      %dma_wait3A_175 = arith.constant 0 : i32
      %dma_wait3A_176 = arith.constant 0 : i32
      %dma_wait3A_177 = tpu.memref_slice %arg3[%rem3A_0, %dma_wait3A_174, %dma_wait3A_175, %dma_wait3A_176] : memref<3x128x8x2048xf32, #tpu.memory_space<vmem>> -> memref<1x16x8x2048xf32, #tpu.memory_space<vmem>>
      %dma_wait3A_178 = tpu.memref_squeeze %dma_wait3A_177 : memref<1x16x8x2048xf32, #tpu.memory_space<vmem>> -> memref<16x8x2048xf32, #tpu.memory_space<vmem>>
      tpu.wait_dma2 semaphore(%dma_wait3A_170 : memref<!tpu.dma_semaphore, #tpu.memory_space<semaphore_mem>>) src(%dma_wait3A_178 : memref<16x8x2048xf32, #tpu.memory_space<vmem>>) dst(%dma_wait3A_173 : memref<16x8x2048xf32, #tpu.memory_space<any>>)
      %dma_wait3A_179 = tpu.memref_slice %arg4[%rem3A_0] : memref<3x!tpu.dma_semaphore, #tpu.memory_space<semaphore_mem>> -> memref<1x!tpu.dma_semaphore, #tpu.memory_space<semaphore_mem>>
      %dma_wait3A_180 = tpu.memref_squeeze %dma_wait3A_179 : memref<1x!tpu.dma_semaphore, #tpu.memory_space<semaphore_mem>> -> memref<!tpu.dma_semaphore, #tpu.memory_space<semaphore_mem>>
      %dma_wait3A_181 = arith.constant 0 : i32
      %dma_wait3A_182 = arith.constant 0 : i32
      %dma_wait3A_183 = tpu.memref_slice %arg2[%add3A_145, %dma_wait3A_181, %dma_wait3A_182] : memref<2048x8x2048xf32, #tpu.memory_space<any>> -> memref<16x8x2048xf32, #tpu.memory_space<any>>
      %dma_wait3A_184 = arith.constant 16 : i32
      %dma_wait3A_185 = arith.constant 0 : i32
      %dma_wait3A_186 = arith.constant 0 : i32
      %dma_wait3A_187 = tpu.memref_slice %arg3[%rem3A_0, %dma_wait3A_184, %dma_wait3A_185, %dma_wait3A_186] : memref<3x128x8x2048xf32, #tpu.memory_space<vmem>> -> memref<1x16x8x2048xf32, #tpu.memory_space<vmem>>
      %dma_wait3A_188 = tpu.memref_squeeze %dma_wait3A_187 : memref<1x16x8x2048xf32, #tpu.memory_space<vmem>> -> memref<16x8x2048xf32, #tpu.memory_space<vmem>>
      tpu.wait_dma2 semaphore(%dma_wait3A_180 : memref<!tpu.dma_semaphore, #tpu.memory_space<semaphore_mem>>) src(%dma_wait3A_188 : memref<16x8x2048xf32, #tpu.memory_space<vmem>>) dst(%dma_wait3A_183 : memref<16x8x2048xf32, #tpu.memory_space<any>>)
      %dma_wait3A_189 = tpu.memref_slice %arg4[%rem3A_0] : memref<3x!tpu.dma_semaphore, #tpu.memory_space<semaphore_mem>> -> memref<1x!tpu.dma_semaphore, #tpu.memory_space<semaphore_mem>>
      %dma_wait3A_190 = tpu.memref_squeeze %dma_wait3A_189 : memref<1x!tpu.dma_semaphore, #tpu.memory_space<semaphore_mem>> -> memref<!tpu.dma_semaphore, #tpu.memory_space<semaphore_mem>>
      %dma_wait3A_191 = arith.constant 0 : i32
      %dma_wait3A_192 = arith.constant 0 : i32
      %dma_wait3A_193 = tpu.memref_slice %arg2[%add3A_149, %dma_wait3A_191, %dma_wait3A_192] : memref<2048x8x2048xf32, #tpu.memory_space<any>> -> memref<16x8x2048xf32, #tpu.memory_space<any>>
      %dma_wait3A_194 = arith.constant 32 : i32
      %dma_wait3A_195 = arith.constant 0 : i32
      %dma_wait3A_196 = arith.constant 0 : i32
      %dma_wait3A_197 = tpu.memref_slice %arg3[%rem3A_0, %dma_wait3A_194, %dma_wait3A_195, %dma_wait3A_196] : memref<3x128x8x2048xf32, #tpu.memory_space<vmem>> -> memref<1x16x8x2048xf32, #tpu.memory_space<vmem>>
      %dma_wait3A_198 = tpu.memref_squeeze %dma_wait3A_197 : memref<1x16x8x2048xf32, #tpu.memory_space<vmem>> -> memref<16x8x2048xf32, #tpu.memory_space<vmem>>
      tpu.wait_dma2 semaphore(%dma_wait3A_190 : memref<!tpu.dma_semaphore, #tpu.memory_space<semaphore_mem>>) src(%dma_wait3A_198 : memref<16x8x2048xf32, #tpu.memory_space<vmem>>) dst(%dma_wait3A_193 : memref<16x8x2048xf32, #tpu.memory_space<any>>)
      %dma_wait3A_199 = tpu.memref_slice %arg4[%rem3A_0] : memref<3x!tpu.dma_semaphore, #tpu.memory_space<semaphore_mem>> -> memref<1x!tpu.dma_semaphore, #tpu.memory_space<semaphore_mem>>
      %dma_wait3A_200 = tpu.memref_squeeze %dma_wait3A_199 : memref<1x!tpu.dma_semaphore, #tpu.memory_space<semaphore_mem>> -> memref<!tpu.dma_semaphore, #tpu.memory_space<semaphore_mem>>
      %dma_wait3A_201 = arith.constant 0 : i32
      %dma_wait3A_202 = arith.constant 0 : i32
      %dma_wait3A_203 = tpu.memref_slice %arg2[%add3A_153, %dma_wait3A_201, %dma_wait3A_202] : memref<2048x8x2048xf32, #tpu.memory_space<any>> -> memref<16x8x2048xf32, #tpu.memory_space<any>>
      %dma_wait3A_204 = arith.constant 48 : i32
      %dma_wait3A_205 = arith.constant 0 : i32
      %dma_wait3A_206 = arith.constant 0 : i32
      %dma_wait3A_207 = tpu.memref_slice %arg3[%rem3A_0, %dma_wait3A_204, %dma_wait3A_205, %dma_wait3A_206] : memref<3x128x8x2048xf32, #tpu.memory_space<vmem>> -> memref<1x16x8x2048xf32, #tpu.memory_space<vmem>>
      %dma_wait3A_208 = tpu.memref_squeeze %dma_wait3A_207 : memref<1x16x8x2048xf32, #tpu.memory_space<vmem>> -> memref<16x8x2048xf32, #tpu.memory_space<vmem>>
      tpu.wait_dma2 semaphore(%dma_wait3A_200 : memref<!tpu.dma_semaphore, #tpu.memory_space<semaphore_mem>>) src(%dma_wait3A_208 : memref<16x8x2048xf32, #tpu.memory_space<vmem>>) dst(%dma_wait3A_203 : memref<16x8x2048xf32, #tpu.memory_space<any>>)
      %dma_wait3A_209 = tpu.memref_slice %arg4[%rem3A_0] : memref<3x!tpu.dma_semaphore, #tpu.memory_space<semaphore_mem>> -> memref<1x!tpu.dma_semaphore, #tpu.memory_space<semaphore_mem>>
      %dma_wait3A_210 = tpu.memref_squeeze %dma_wait3A_209 : memref<1x!tpu.dma_semaphore, #tpu.memory_space<semaphore_mem>> -> memref<!tpu.dma_semaphore, #tpu.memory_space<semaphore_mem>>
      %dma_wait3A_211 = arith.constant 0 : i32
      %dma_wait3A_212 = arith.constant 0 : i32
      %dma_wait3A_213 = tpu.memref_slice %arg2[%add3A_157, %dma_wait3A_211, %dma_wait3A_212] : memref<2048x8x2048xf32, #tpu.memory_space<any>> -> memref<16x8x2048xf32, #tpu.memory_space<any>>
      %dma_wait3A_214 = arith.constant 64 : i32
      %dma_wait3A_215 = arith.constant 0 : i32
      %dma_wait3A_216 = arith.constant 0 : i32
      %dma_wait3A_217 = tpu.memref_slice %arg3[%rem3A_0, %dma_wait3A_214, %dma_wait3A_215, %dma_wait3A_216] : memref<3x128x8x2048xf32, #tpu.memory_space<vmem>> -> memref<1x16x8x2048xf32, #tpu.memory_space<vmem>>
      %dma_wait3A_218 = tpu.memref_squeeze %dma_wait3A_217 : memref<1x16x8x2048xf32, #tpu.memory_space<vmem>> -> memref<16x8x2048xf32, #tpu.memory_space<vmem>>
      tpu.wait_dma2 semaphore(%dma_wait3A_210 : memref<!tpu.dma_semaphore, #tpu.memory_space<semaphore_mem>>) src(%dma_wait3A_218 : memref<16x8x2048xf32, #tpu.memory_space<vmem>>) dst(%dma_wait3A_213 : memref<16x8x2048xf32, #tpu.memory_space<any>>)
      %dma_wait3A_219 = tpu.memref_slice %arg4[%rem3A_0] : memref<3x!tpu.dma_semaphore, #tpu.memory_space<semaphore_mem>> -> memref<1x!tpu.dma_semaphore, #tpu.memory_space<semaphore_mem>>
      %dma_wait3A_220 = tpu.memref_squeeze %dma_wait3A_219 : memref<1x!tpu.dma_semaphore, #tpu.memory_space<semaphore_mem>> -> memref<!tpu.dma_semaphore, #tpu.memory_space<semaphore_mem>>
      %dma_wait3A_221 = arith.constant 0 : i32
      %dma_wait3A_222 = arith.constant 0 : i32
      %dma_wait3A_223 = tpu.memref_slice %arg2[%add3A_161, %dma_wait3A_221, %dma_wait3A_222] : memref<2048x8x2048xf32, #tpu.memory_space<any>> -> memref<16x8x2048xf32, #tpu.memory_space<any>>
      %dma_wait3A_224 = arith.constant 80 : i32
      %dma_wait3A_225 = arith.constant 0 : i32
      %dma_wait3A_226 = arith.constant 0 : i32
      %dma_wait3A_227 = tpu.memref_slice %arg3[%rem3A_0, %dma_wait3A_224, %dma_wait3A_225, %dma_wait3A_226] : memref<3x128x8x2048xf32, #tpu.memory_space<vmem>> -> memref<1x16x8x2048xf32, #tpu.memory_space<vmem>>
      %dma_wait3A_228 = tpu.memref_squeeze %dma_wait3A_227 : memref<1x16x8x2048xf32, #tpu.memory_space<vmem>> -> memref<16x8x2048xf32, #tpu.memory_space<vmem>>
      tpu.wait_dma2 semaphore(%dma_wait3A_220 : memref<!tpu.dma_semaphore, #tpu.memory_space<semaphore_mem>>) src(%dma_wait3A_228 : memref<16x8x2048xf32, #tpu.memory_space<vmem>>) dst(%dma_wait3A_223 : memref<16x8x2048xf32, #tpu.memory_space<any>>)
      %dma_wait3A_229 = tpu.memref_slice %arg4[%rem3A_0] : memref<3x!tpu.dma_semaphore, #tpu.memory_space<semaphore_mem>> -> memref<1x!tpu.dma_semaphore, #tpu.memory_space<semaphore_mem>>
      %dma_wait3A_230 = tpu.memref_squeeze %dma_wait3A_229 : memref<1x!tpu.dma_semaphore, #tpu.memory_space<semaphore_mem>> -> memref<!tpu.dma_semaphore, #tpu.memory_space<semaphore_mem>>
      %dma_wait3A_231 = arith.constant 0 : i32
      %dma_wait3A_232 = arith.constant 0 : i32
      %dma_wait3A_233 = tpu.memref_slice %arg2[%add3A_165, %dma_wait3A_231, %dma_wait3A_232] : memref<2048x8x2048xf32, #tpu.memory_space<any>> -> memref<16x8x2048xf32, #tpu.memory_space<any>>
      %dma_wait3A_234 = arith.constant 96 : i32
      %dma_wait3A_235 = arith.constant 0 : i32
      %dma_wait3A_236 = arith.constant 0 : i32
      %dma_wait3A_237 = tpu.memref_slice %arg3[%rem3A_0, %dma_wait3A_234, %dma_wait3A_235, %dma_wait3A_236] : memref<3x128x8x2048xf32, #tpu.memory_space<vmem>> -> memref<1x16x8x2048xf32, #tpu.memory_space<vmem>>
      %dma_wait3A_238 = tpu.memref_squeeze %dma_wait3A_237 : memref<1x16x8x2048xf32, #tpu.memory_space<vmem>> -> memref<16x8x2048xf32, #tpu.memory_space<vmem>>
      tpu.wait_dma2 semaphore(%dma_wait3A_230 : memref<!tpu.dma_semaphore, #tpu.memory_space<semaphore_mem>>) src(%dma_wait3A_238 : memref<16x8x2048xf32, #tpu.memory_space<vmem>>) dst(%dma_wait3A_233 : memref<16x8x2048xf32, #tpu.memory_space<any>>)
      %dma_wait3A_239 = tpu.memref_slice %arg4[%rem3A_0] : memref<3x!tpu.dma_semaphore, #tpu.memory_space<semaphore_mem>> -> memref<1x!tpu.dma_semaphore, #tpu.memory_space<semaphore_mem>>
      %dma_wait3A_240 = tpu.memref_squeeze %dma_wait3A_239 : memref<1x!tpu.dma_semaphore, #tpu.memory_space<semaphore_mem>> -> memref<!tpu.dma_semaphore, #tpu.memory_space<semaphore_mem>>
      %dma_wait3A_241 = arith.constant 0 : i32
      %dma_wait3A_242 = arith.constant 0 : i32
      %dma_wait3A_243 = tpu.memref_slice %arg2[%add3A_169, %dma_wait3A_241, %dma_wait3A_242] : memref<2048x8x2048xf32, #tpu.memory_space<any>> -> memref<16x8x2048xf32, #tpu.memory_space<any>>
      %dma_wait3A_244 = arith.constant 112 : i32
      %dma_wait3A_245 = arith.constant 0 : i32
      %dma_wait3A_246 = arith.constant 0 : i32
      %dma_wait3A_247 = tpu.memref_slice %arg3[%rem3A_0, %dma_wait3A_244, %dma_wait3A_245, %dma_wait3A_246] : memref<3x128x8x2048xf32, #tpu.memory_space<vmem>> -> memref<1x16x8x2048xf32, #tpu.memory_space<vmem>>
      %dma_wait3A_248 = tpu.memref_squeeze %dma_wait3A_247 : memref<1x16x8x2048xf32, #tpu.memory_space<vmem>> -> memref<16x8x2048xf32, #tpu.memory_space<vmem>>
      tpu.wait_dma2 semaphore(%dma_wait3A_240 : memref<!tpu.dma_semaphore, #tpu.memory_space<semaphore_mem>>) src(%dma_wait3A_248 : memref<16x8x2048xf32, #tpu.memory_space<vmem>>) dst(%dma_wait3A_243 : memref<16x8x2048xf32, #tpu.memory_space<any>>)
      %broadcast_in_dim3A_249 = arith.constant 0.000000e+00 : f32
      %broadcast_in_dim3A_250 = vector.broadcast %broadcast_in_dim3A_249 : f32 to vector<128x8x128xf32>
      %sub3A_251 = arith.constant 3 : i32
      %sub3A_252 = arith.subi %arg0, %sub3A_251 : i32
      %mul3A_253 = arith.constant 128 : i32
      %mul3A_254 = arith.muli %sub3A_252, %mul3A_253 : i32
      %swap3A_255 = arith.index_cast %rem3A_0 : i32 to index
      %swap3A_256 = arith.constant 0 : index
      %swap3A_257 = arith.constant 0 : index
      %swap3A_258 = arith.index_cast %mul3A_254 : i32 to index
      %swap3A_259 = vector.load %arg3[%swap3A_255, %swap3A_256, %swap3A_257, %swap3A_258] : memref<3x128x8x2048xf32, #tpu.memory_space<vmem>>, vector<1x128x8x128xf32>
      %swap3A_260 = vector.shape_cast %swap3A_259 : vector<1x128x8x128xf32> to vector<128x8x128xf32>
      %swap3A_261 = vector.shape_cast %broadcast_in_dim3A_250 : vector<128x8x128xf32> to vector<1x128x8x128xf32>
      tpu.vector_store %arg3[%swap3A_255, %swap3A_256, %swap3A_257, %swap3A_258], %swap3A_261 {strides = array<i32>} : memref<3x128x8x2048xf32, #tpu.memory_space<vmem>>, vector<1x128x8x128xf32>,
    } else {
    }
    %lt3A = arith.constant 3 : i32
    %lt3A_3 = arith.cmpi slt, %arg0, %lt3A : i32
    %convert_element_type3A_4 = arith.extui %lt3A_3 : i1 to i32
    %cond3A_5 = arith.constant 0 : i32
    %cond3A_6 = arith.cmpi ne, %convert_element_type3A_4, %cond3A_5 : i32
    scf.if %cond3A_6 {
      %broadcast_in_dim3A_137 = arith.constant 0.000000e+00 : f32
      %broadcast_in_dim3A_138 = vector.broadcast %broadcast_in_dim3A_137 : f32 to vector<128x8x2048xf32>
      %swap3A_139 = arith.index_cast %rem3A_0 : i32 to index
      %swap3A_140 = arith.constant 0 : index
      %swap3A_141 = arith.constant 0 : index
      %swap3A_142 = arith.constant 0 : index
      %swap3A_143 = vector.load %arg3[%swap3A_139, %swap3A_140, %swap3A_141, %swap3A_142] : memref<3x128x8x2048xf32, #tpu.memory_space<vmem>>, vector<1x128x8x2048xf32>
      %swap3A_144 = vector.shape_cast %swap3A_143 : vector<1x128x8x2048xf32> to vector<128x8x2048xf32>
      %swap3A_145 = vector.shape_cast %broadcast_in_dim3A_138 : vector<128x8x2048xf32> to vector<1x128x8x2048xf32>
      tpu.vector_store %arg3[%swap3A_139, %swap3A_140, %swap3A_141, %swap3A_142], %swap3A_145 {strides = array<i32>} : memref<3x128x8x2048xf32, #tpu.memory_space<vmem>>, vector<1x128x8x2048xf32>,
    } else {
    }
    %mul3A = arith.constant 128 : i32
    %mul3A_7 = arith.muli %arg0, %mul3A : i32
    %get3A = arith.index_cast %mul3A_7 : i32 to index
    %get3A_8 = arith.constant 0 : index
    %get3A_9 = vector.load %arg1[%get3A, %get3A_8] : memref<2048x8xf32, #tpu.memory_space<vmem>>, vector<128x8xf32>
    %iota3A = tpu.iota {dimensions = array<i32: 0>} : vector<128x8x128xi32>
    %iota3A_10 = tpu.iota {dimensions = array<i32: 2>} : vector<128x8x128xi32>
    %eq3A = arith.cmpi eq, %iota3A, %iota3A_10 : vector<128x8x128xi32>
    %broadcast_in_dim3A = vector.shape_cast %get3A_9 : vector<128x8xf32> to vector<128x8x1xf32>
    %jit3A = arith.constant 0.000000e+00 : f32
    %broadcast_in_dim3A_11 = vector.shape_cast %broadcast_in_dim3A : vector<128x8x1xf32> to vector<128x8x1xf32>
    %broadcast_in_dim3A_12 = vector.broadcast %broadcast_in_dim3A_11 : vector<128x8x1xf32> to vector<128x8x128xf32>
    %broadcast_in_dim3A_13 = vector.broadcast %jit3A : f32 to vector<128x8x128xf32>
    %select_n3A = arith.select %eq3A, %broadcast_in_dim3A_12, %broadcast_in_dim3A_13 : vector<128x8x128xi1>, vector<128x8x128xf32>
    %mul3A_14 = arith.constant 128 : i32
    %mul3A_15 = arith.muli %arg0, %mul3A_14 : i32
    %swap3A = arith.index_cast %rem3A_0 : i32 to index
    %swap3A_16 = arith.constant 0 : index
    %swap3A_17 = arith.constant 0 : index
    %swap3A_18 = arith.index_cast %mul3A_15 : i32 to index
    %swap3A_19 = vector.load %arg3[%swap3A, %swap3A_16, %swap3A_17, %swap3A_18] : memref<3x128x8x2048xf32, #tpu.memory_space<vmem>>, vector<1x128x8x128xf32>
    %swap3A_20 = vector.shape_cast %swap3A_19 : vector<1x128x8x128xf32> to vector<128x8x128xf32>
    %swap3A_21 = vector.shape_cast %select_n3A : vector<128x8x128xf32> to vector<1x128x8x128xf32>
    tpu.vector_store %arg3[%swap3A, %swap3A_16, %swap3A_17, %swap3A_18], %swap3A_21 {strides = array<i32>} : memref<3x128x8x2048xf32, #tpu.memory_space<vmem>>, vector<1x128x8x128xf32>,
    %mul3A_22 = arith.constant 128 : i32
    %mul3A_23 = arith.muli %arg0, %mul3A_22 : i32
    %add3A = arith.constant 0 : i32
    %add3A_24 = arith.addi %mul3A_23, %add3A : i32
    %mul3A_25 = arith.constant 128 : i32
    %mul3A_26 = arith.muli %arg0, %mul3A_25 : i32
    %add3A_27 = arith.constant 16 : i32
    %add3A_28 = arith.addi %mul3A_26, %add3A_27 : i32
    %mul3A_29 = arith.constant 128 : i32
    %mul3A_30 = arith.muli %arg0, %mul3A_29 : i32
    %add3A_31 = arith.constant 32 : i32
    %add3A_32 = arith.addi %mul3A_30, %add3A_31 : i32
    %mul3A_33 = arith.constant 128 : i32
    %mul3A_34 = arith.muli %arg0, %mul3A_33 : i32
    %add3A_35 = arith.constant 48 : i32
    %add3A_36 = arith.addi %mul3A_34, %add3A_35 : i32
    %mul3A_37 = arith.constant 128 : i32
    %mul3A_38 = arith.muli %arg0, %mul3A_37 : i32
    %add3A_39 = arith.constant 64 : i32
    %add3A_40 = arith.addi %mul3A_38, %add3A_39 : i32
    %mul3A_41 = arith.constant 128 : i32
    %mul3A_42 = arith.muli %arg0, %mul3A_41 : i32
    %add3A_43 = arith.constant 80 : i32
    %add3A_44 = arith.addi %mul3A_42, %add3A_43 : i32
    %mul3A_45 = arith.constant 128 : i32
    %mul3A_46 = arith.muli %arg0, %mul3A_45 : i32
    %add3A_47 = arith.constant 96 : i32
    %add3A_48 = arith.addi %mul3A_46, %add3A_47 : i32
    %mul3A_49 = arith.constant 128 : i32
    %mul3A_50 = arith.muli %arg0, %mul3A_49 : i32
    %add3A_51 = arith.constant 112 : i32
    %add3A_52 = arith.addi %mul3A_50, %add3A_51 : i32
    %dma_start3A = tpu.memref_slice %arg4[%rem3A_0] : memref<3x!tpu.dma_semaphore, #tpu.memory_space<semaphore_mem>> -> memref<1x!tpu.dma_semaphore, #tpu.memory_space<semaphore_mem>>
    %dma_start3A_53 = tpu.memref_squeeze %dma_start3A : memref<1x!tpu.dma_semaphore, #tpu.memory_space<semaphore_mem>> -> memref<!tpu.dma_semaphore, #tpu.memory_space<semaphore_mem>>
    %dma_start3A_54 = arith.constant 0 : i32
    %dma_start3A_55 = arith.constant 0 : i32
    %dma_start3A_56 = tpu.memref_slice %arg2[%add3A_24, %dma_start3A_54, %dma_start3A_55] : memref<2048x8x2048xf32, #tpu.memory_space<any>> -> memref<16x8x2048xf32, #tpu.memory_space<any>>
    %dma_start3A_57 = arith.constant 0 : i32
    %dma_start3A_58 = arith.constant 0 : i32
    %dma_start3A_59 = arith.constant 0 : i32
    %dma_start3A_60 = tpu.memref_slice %arg3[%rem3A_0, %dma_start3A_57, %dma_start3A_58, %dma_start3A_59] : memref<3x128x8x2048xf32, #tpu.memory_space<vmem>> -> memref<1x16x8x2048xf32, #tpu.memory_space<vmem>>
    %dma_start3A_61 = tpu.memref_squeeze %dma_start3A_60 : memref<1x16x8x2048xf32, #tpu.memory_space<vmem>> -> memref<16x8x2048xf32, #tpu.memory_space<vmem>>
    tpu.enqueue_dma source(%dma_start3A_61 : memref<16x8x2048xf32, #tpu.memory_space<vmem>>) target(%dma_start3A_56 : memref<16x8x2048xf32, #tpu.memory_space<any>>) target_semaphore(%dma_start3A_53 : memref<!tpu.dma_semaphore, #tpu.memory_space<semaphore_mem>>)
    %dma_start3A_62 = tpu.memref_slice %arg4[%rem3A_0] : memref<3x!tpu.dma_semaphore, #tpu.memory_space<semaphore_mem>> -> memref<1x!tpu.dma_semaphore, #tpu.memory_space<semaphore_mem>>
    %dma_start3A_63 = tpu.memref_squeeze %dma_start3A_62 : memref<1x!tpu.dma_semaphore, #tpu.memory_space<semaphore_mem>> -> memref<!tpu.dma_semaphore, #tpu.memory_space<semaphore_mem>>
    %dma_start3A_64 = arith.constant 0 : i32
    %dma_start3A_65 = arith.constant 0 : i32
    %dma_start3A_66 = tpu.memref_slice %arg2[%add3A_28, %dma_start3A_64, %dma_start3A_65] : memref<2048x8x2048xf32, #tpu.memory_space<any>> -> memref<16x8x2048xf32, #tpu.memory_space<any>>
    %dma_start3A_67 = arith.constant 16 : i32
    %dma_start3A_68 = arith.constant 0 : i32
    %dma_start3A_69 = arith.constant 0 : i32
    %dma_start3A_70 = tpu.memref_slice %arg3[%rem3A_0, %dma_start3A_67, %dma_start3A_68, %dma_start3A_69] : memref<3x128x8x2048xf32, #tpu.memory_space<vmem>> -> memref<1x16x8x2048xf32, #tpu.memory_space<vmem>>
    %dma_start3A_71 = tpu.memref_squeeze %dma_start3A_70 : memref<1x16x8x2048xf32, #tpu.memory_space<vmem>> -> memref<16x8x2048xf32, #tpu.memory_space<vmem>>
    tpu.enqueue_dma source(%dma_start3A_71 : memref<16x8x2048xf32, #tpu.memory_space<vmem>>) target(%dma_start3A_66 : memref<16x8x2048xf32, #tpu.memory_space<any>>) target_semaphore(%dma_start3A_63 : memref<!tpu.dma_semaphore, #tpu.memory_space<semaphore_mem>>)
    %dma_start3A_72 = tpu.memref_slice %arg4[%rem3A_0] : memref<3x!tpu.dma_semaphore, #tpu.memory_space<semaphore_mem>> -> memref<1x!tpu.dma_semaphore, #tpu.memory_space<semaphore_mem>>
    %dma_start3A_73 = tpu.memref_squeeze %dma_start3A_72 : memref<1x!tpu.dma_semaphore, #tpu.memory_space<semaphore_mem>> -> memref<!tpu.dma_semaphore, #tpu.memory_space<semaphore_mem>>
    %dma_start3A_74 = arith.constant 0 : i32
    %dma_start3A_75 = arith.constant 0 : i32
    %dma_start3A_76 = tpu.memref_slice %arg2[%add3A_32, %dma_start3A_74, %dma_start3A_75] : memref<2048x8x2048xf32, #tpu.memory_space<any>> -> memref<16x8x2048xf32, #tpu.memory_space<any>>
    %dma_start3A_77 = arith.constant 32 : i32
    %dma_start3A_78 = arith.constant 0 : i32
    %dma_start3A_79 = arith.constant 0 : i32
    %dma_start3A_80 = tpu.memref_slice %arg3[%rem3A_0, %dma_start3A_77, %dma_start3A_78, %dma_start3A_79] : memref<3x128x8x2048xf32, #tpu.memory_space<vmem>> -> memref<1x16x8x2048xf32, #tpu.memory_space<vmem>>
    %dma_start3A_81 = tpu.memref_squeeze %dma_start3A_80 : memref<1x16x8x2048xf32, #tpu.memory_space<vmem>> -> memref<16x8x2048xf32, #tpu.memory_space<vmem>>
    tpu.enqueue_dma source(%dma_start3A_81 : memref<16x8x2048xf32, #tpu.memory_space<vmem>>) target(%dma_start3A_76 : memref<16x8x2048xf32, #tpu.memory_space<any>>) target_semaphore(%dma_start3A_73 : memref<!tpu.dma_semaphore, #tpu.memory_space<semaphore_mem>>)
    %dma_start3A_82 = tpu.memref_slice %arg4[%rem3A_0] : memref<3x!tpu.dma_semaphore, #tpu.memory_space<semaphore_mem>> -> memref<1x!tpu.dma_semaphore, #tpu.memory_space<semaphore_mem>>
    %dma_start3A_83 = tpu.memref_squeeze %dma_start3A_82 : memref<1x!tpu.dma_semaphore, #tpu.memory_space<semaphore_mem>> -> memref<!tpu.dma_semaphore, #tpu.memory_space<semaphore_mem>>
    %dma_start3A_84 = arith.constant 0 : i32
    %dma_start3A_85 = arith.constant 0 : i32
    %dma_start3A_86 = tpu.memref_slice %arg2[%add3A_36, %dma_start3A_84, %dma_start3A_85] : memref<2048x8x2048xf32, #tpu.memory_space<any>> -> memref<16x8x2048xf32, #tpu.memory_space<any>>
    %dma_start3A_87 = arith.constant 48 : i32
    %dma_start3A_88 = arith.constant 0 : i32
    %dma_start3A_89 = arith.constant 0 : i32
    %dma_start3A_90 = tpu.memref_slice %arg3[%rem3A_0, %dma_start3A_87, %dma_start3A_88, %dma_start3A_89] : memref<3x128x8x2048xf32, #tpu.memory_space<vmem>> -> memref<1x16x8x2048xf32, #tpu.memory_space<vmem>>
    %dma_start3A_91 = tpu.memref_squeeze %dma_start3A_90 : memref<1x16x8x2048xf32, #tpu.memory_space<vmem>> -> memref<16x8x2048xf32, #tpu.memory_space<vmem>>
    tpu.enqueue_dma source(%dma_start3A_91 : memref<16x8x2048xf32, #tpu.memory_space<vmem>>) target(%dma_start3A_86 : memref<16x8x2048xf32, #tpu.memory_space<any>>) target_semaphore(%dma_start3A_83 : memref<!tpu.dma_semaphore, #tpu.memory_space<semaphore_mem>>)
    %dma_start3A_92 = tpu.memref_slice %arg4[%rem3A_0] : memref<3x!tpu.dma_semaphore, #tpu.memory_space<semaphore_mem>> -> memref<1x!tpu.dma_semaphore, #tpu.memory_space<semaphore_mem>>
    %dma_start3A_93 = tpu.memref_squeeze %dma_start3A_92 : memref<1x!tpu.dma_semaphore, #tpu.memory_space<semaphore_mem>> -> memref<!tpu.dma_semaphore, #tpu.memory_space<semaphore_mem>>
    %dma_start3A_94 = arith.constant 0 : i32
    %dma_start3A_95 = arith.constant 0 : i32
    %dma_start3A_96 = tpu.memref_slice %arg2[%add3A_40, %dma_start3A_94, %dma_start3A_95] : memref<2048x8x2048xf32, #tpu.memory_space<any>> -> memref<16x8x2048xf32, #tpu.memory_space<any>>
    %dma_start3A_97 = arith.constant 64 : i32
    %dma_start3A_98 = arith.constant 0 : i32
    %dma_start3A_99 = arith.constant 0 : i32
    %dma_start3A_100 = tpu.memref_slice %arg3[%rem3A_0, %dma_start3A_97, %dma_start3A_98, %dma_start3A_99] : memref<3x128x8x2048xf32, #tpu.memory_space<vmem>> -> memref<1x16x8x2048xf32, #tpu.memory_space<vmem>>
    %dma_start3A_101 = tpu.memref_squeeze %dma_start3A_100 : memref<1x16x8x2048xf32, #tpu.memory_space<vmem>> -> memref<16x8x2048xf32, #tpu.memory_space<vmem>>
    tpu.enqueue_dma source(%dma_start3A_101 : memref<16x8x2048xf32, #tpu.memory_space<vmem>>) target(%dma_start3A_96 : memref<16x8x2048xf32, #tpu.memory_space<any>>) target_semaphore(%dma_start3A_93 : memref<!tpu.dma_semaphore, #tpu.memory_space<semaphore_mem>>)
    %dma_start3A_102 = tpu.memref_slice %arg4[%rem3A_0] : memref<3x!tpu.dma_semaphore, #tpu.memory_space<semaphore_mem>> -> memref<1x!tpu.dma_semaphore, #tpu.memory_space<semaphore_mem>>
    %dma_start3A_103 = tpu.memref_squeeze %dma_start3A_102 : memref<1x!tpu.dma_semaphore, #tpu.memory_space<semaphore_mem>> -> memref<!tpu.dma_semaphore, #tpu.memory_space<semaphore_mem>>
    %dma_start3A_104 = arith.constant 0 : i32
    %dma_start3A_105 = arith.constant 0 : i32
    %dma_start3A_106 = tpu.memref_slice %arg2[%add3A_44, %dma_start3A_104, %dma_start3A_105] : memref<2048x8x2048xf32, #tpu.memory_space<any>> -> memref<16x8x2048xf32, #tpu.memory_space<any>>
    %dma_start3A_107 = arith.constant 80 : i32
    %dma_start3A_108 = arith.constant 0 : i32
    %dma_start3A_109 = arith.constant 0 : i32
    %dma_start3A_110 = tpu.memref_slice %arg3[%rem3A_0, %dma_start3A_107, %dma_start3A_108, %dma_start3A_109] : memref<3x128x8x2048xf32, #tpu.memory_space<vmem>> -> memref<1x16x8x2048xf32, #tpu.memory_space<vmem>>
    %dma_start3A_111 = tpu.memref_squeeze %dma_start3A_110 : memref<1x16x8x2048xf32, #tpu.memory_space<vmem>> -> memref<16x8x2048xf32, #tpu.memory_space<vmem>>
    tpu.enqueue_dma source(%dma_start3A_111 : memref<16x8x2048xf32, #tpu.memory_space<vmem>>) target(%dma_start3A_106 : memref<16x8x2048xf32, #tpu.memory_space<any>>) target_semaphore(%dma_start3A_103 : memref<!tpu.dma_semaphore, #tpu.memory_space<semaphore_mem>>)
    %dma_start3A_112 = tpu.memref_slice %arg4[%rem3A_0] : memref<3x!tpu.dma_semaphore, #tpu.memory_space<semaphore_mem>> -> memref<1x!tpu.dma_semaphore, #tpu.memory_space<semaphore_mem>>
    %dma_start3A_113 = tpu.memref_squeeze %dma_start3A_112 : memref<1x!tpu.dma_semaphore, #tpu.memory_space<semaphore_mem>> -> memref<!tpu.dma_semaphore, #tpu.memory_space<semaphore_mem>>
    %dma_start3A_114 = arith.constant 0 : i32
    %dma_start3A_115 = arith.constant 0 : i32
    %dma_start3A_116 = tpu.memref_slice %arg2[%add3A_48, %dma_start3A_114, %dma_start3A_115] : memref<2048x8x2048xf32, #tpu.memory_space<any>> -> memref<16x8x2048xf32, #tpu.memory_space<any>>
    %dma_start3A_117 = arith.constant 96 : i32
    %dma_start3A_118 = arith.constant 0 : i32
    %dma_start3A_119 = arith.constant 0 : i32
    %dma_start3A_120 = tpu.memref_slice %arg3[%rem3A_0, %dma_start3A_117, %dma_start3A_118, %dma_start3A_119] : memref<3x128x8x2048xf32, #tpu.memory_space<vmem>> -> memref<1x16x8x2048xf32, #tpu.memory_space<vmem>>
    %dma_start3A_121 = tpu.memref_squeeze %dma_start3A_120 : memref<1x16x8x2048xf32, #tpu.memory_space<vmem>> -> memref<16x8x2048xf32, #tpu.memory_space<vmem>>
    tpu.enqueue_dma source(%dma_start3A_121 : memref<16x8x2048xf32, #tpu.memory_space<vmem>>) target(%dma_start3A_116 : memref<16x8x2048xf32, #tpu.memory_space<any>>) target_semaphore(%dma_start3A_113 : memref<!tpu.dma_semaphore, #tpu.memory_space<semaphore_mem>>)
    %dma_start3A_122 = tpu.memref_slice %arg4[%rem3A_0] : memref<3x!tpu.dma_semaphore, #tpu.memory_space<semaphore_mem>> -> memref<1x!tpu.dma_semaphore, #tpu.memory_space<semaphore_mem>>
    %dma_start3A_123 = tpu.memref_squeeze %dma_start3A_122 : memref<1x!tpu.dma_semaphore, #tpu.memory_space<semaphore_mem>> -> memref<!tpu.dma_semaphore, #tpu.memory_space<semaphore_mem>>
    %dma_start3A_124 = arith.constant 0 : i32
    %dma_start3A_125 = arith.constant 0 : i32
    %dma_start3A_126 = tpu.memref_slice %arg2[%add3A_52, %dma_start3A_124, %dma_start3A_125] : memref<2048x8x2048xf32, #tpu.memory_space<any>> -> memref<16x8x2048xf32, #tpu.memory_space<any>>
    %dma_start3A_127 = arith.constant 112 : i32
    %dma_start3A_128 = arith.constant 0 : i32
    %dma_start3A_129 = arith.constant 0 : i32
    %dma_start3A_130 = tpu.memref_slice %arg3[%rem3A_0, %dma_start3A_127, %dma_start3A_128, %dma_start3A_129] : memref<3x128x8x2048xf32, #tpu.memory_space<vmem>> -> memref<1x16x8x2048xf32, #tpu.memory_space<vmem>>
    %dma_start3A_131 = tpu.memref_squeeze %dma_start3A_130 : memref<1x16x8x2048xf32, #tpu.memory_space<vmem>> -> memref<16x8x2048xf32, #tpu.memory_space<vmem>>
    tpu.enqueue_dma source(%dma_start3A_131 : memref<16x8x2048xf32, #tpu.memory_space<vmem>>) target(%dma_start3A_126 : memref<16x8x2048xf32, #tpu.memory_space<any>>) target_semaphore(%dma_start3A_123 : memref<!tpu.dma_semaphore, #tpu.memory_space<semaphore_mem>>)
    %eq3A_132 = arith.constant 15 : i32
    %eq3A_133 = arith.cmpi eq, %arg0, %eq3A_132 : i32
    %convert_element_type3A_134 = arith.extui %eq3A_133 : i1 to i32
    %cond3A_135 = arith.constant 0 : i32
    %cond3A_136 = arith.cmpi ne, %convert_element_type3A_134, %cond3A_135 : i32
    scf.if %cond3A_136 {
      %dma_wait3A = arith.constant 1 : i32
      %dma_wait3A_137 = arith.constant 1 : i32
      %dma_wait3A_138 = tpu.memref_slice %arg4[%dma_wait3A_137] : memref<3x!tpu.dma_semaphore, #tpu.memory_space<semaphore_mem>> -> memref<1x!tpu.dma_semaphore, #tpu.memory_space<semaphore_mem>>
      %dma_wait3A_139 = tpu.memref_squeeze %dma_wait3A_138 : memref<1x!tpu.dma_semaphore, #tpu.memory_space<semaphore_mem>> -> memref<!tpu.dma_semaphore, #tpu.memory_space<semaphore_mem>>
      %dma_wait3A_140 = arith.constant 1664 : i32
      %dma_wait3A_141 = arith.constant 0 : i32
      %dma_wait3A_142 = arith.constant 0 : i32
      %dma_wait3A_143 = tpu.memref_slice %arg2[%dma_wait3A_140, %dma_wait3A_141, %dma_wait3A_142] : memref<2048x8x2048xf32, #tpu.memory_space<any>> -> memref<16x8x2048xf32, #tpu.memory_space<any>>
      %dma_wait3A_144 = arith.constant 0 : i32
      %dma_wait3A_145 = arith.constant 0 : i32
      %dma_wait3A_146 = arith.constant 0 : i32
      %dma_wait3A_147 = tpu.memref_slice %arg3[%dma_wait3A, %dma_wait3A_144, %dma_wait3A_145, %dma_wait3A_146] : memref<3x128x8x2048xf32, #tpu.memory_space<vmem>> -> memref<1x16x8x2048xf32, #tpu.memory_space<vmem>>
      %dma_wait3A_148 = tpu.memref_squeeze %dma_wait3A_147 : memref<1x16x8x2048xf32, #tpu.memory_space<vmem>> -> memref<16x8x2048xf32, #tpu.memory_space<vmem>>
      tpu.wait_dma2 semaphore(%dma_wait3A_139 : memref<!tpu.dma_semaphore, #tpu.memory_space<semaphore_mem>>) src(%dma_wait3A_148 : memref<16x8x2048xf32, #tpu.memory_space<vmem>>) dst(%dma_wait3A_143 : memref<16x8x2048xf32, #tpu.memory_space<any>>)
      %dma_wait3A_149 = arith.constant 1 : i32
      %dma_wait3A_150 = arith.constant 1 : i32
      %dma_wait3A_151 = tpu.memref_slice %arg4[%dma_wait3A_150] : memref<3x!tpu.dma_semaphore, #tpu.memory_space<semaphore_mem>> -> memref<1x!tpu.dma_semaphore, #tpu.memory_space<semaphore_mem>>
      %dma_wait3A_152 = tpu.memref_squeeze %dma_wait3A_151 : memref<1x!tpu.dma_semaphore, #tpu.memory_space<semaphore_mem>> -> memref<!tpu.dma_semaphore, #tpu.memory_space<semaphore_mem>>
      %dma_wait3A_153 = arith.constant 1680 : i32
      %dma_wait3A_154 = arith.constant 0 : i32
      %dma_wait3A_155 = arith.constant 0 : i32
      %dma_wait3A_156 = tpu.memref_slice %arg2[%dma_wait3A_153, %dma_wait3A_154, %dma_wait3A_155] : memref<2048x8x2048xf32, #tpu.memory_space<any>> -> memref<16x8x2048xf32, #tpu.memory_space<any>>
      %dma_wait3A_157 = arith.constant 16 : i32
      %dma_wait3A_158 = arith.constant 0 : i32
      %dma_wait3A_159 = arith.constant 0 : i32
      %dma_wait3A_160 = tpu.memref_slice %arg3[%dma_wait3A_149, %dma_wait3A_157, %dma_wait3A_158, %dma_wait3A_159] : memref<3x128x8x2048xf32, #tpu.memory_space<vmem>> -> memref<1x16x8x2048xf32, #tpu.memory_space<vmem>>
      %dma_wait3A_161 = tpu.memref_squeeze %dma_wait3A_160 : memref<1x16x8x2048xf32, #tpu.memory_space<vmem>> -> memref<16x8x2048xf32, #tpu.memory_space<vmem>>
      tpu.wait_dma2 semaphore(%dma_wait3A_152 : memref<!tpu.dma_semaphore, #tpu.memory_space<semaphore_mem>>) src(%dma_wait3A_161 : memref<16x8x2048xf32, #tpu.memory_space<vmem>>) dst(%dma_wait3A_156 : memref<16x8x2048xf32, #tpu.memory_space<any>>)
      %dma_wait3A_162 = arith.constant 1 : i32
      %dma_wait3A_163 = arith.constant 1 : i32
      %dma_wait3A_164 = tpu.memref_slice %arg4[%dma_wait3A_163] : memref<3x!tpu.dma_semaphore, #tpu.memory_space<semaphore_mem>> -> memref<1x!tpu.dma_semaphore, #tpu.memory_space<semaphore_mem>>
      %dma_wait3A_165 = tpu.memref_squeeze %dma_wait3A_164 : memref<1x!tpu.dma_semaphore, #tpu.memory_space<semaphore_mem>> -> memref<!tpu.dma_semaphore, #tpu.memory_space<semaphore_mem>>
      %dma_wait3A_166 = arith.constant 1696 : i32
      %dma_wait3A_167 = arith.constant 0 : i32
      %dma_wait3A_168 = arith.constant 0 : i32
      %dma_wait3A_169 = tpu.memref_slice %arg2[%dma_wait3A_166, %dma_wait3A_167, %dma_wait3A_168] : memref<2048x8x2048xf32, #tpu.memory_space<any>> -> memref<16x8x2048xf32, #tpu.memory_space<any>>
      %dma_wait3A_170 = arith.constant 32 : i32
      %dma_wait3A_171 = arith.constant 0 : i32
      %dma_wait3A_172 = arith.constant 0 : i32
      %dma_wait3A_173 = tpu.memref_slice %arg3[%dma_wait3A_162, %dma_wait3A_170, %dma_wait3A_171, %dma_wait3A_172] : memref<3x128x8x2048xf32, #tpu.memory_space<vmem>> -> memref<1x16x8x2048xf32, #tpu.memory_space<vmem>>
      %dma_wait3A_174 = tpu.memref_squeeze %dma_wait3A_173 : memref<1x16x8x2048xf32, #tpu.memory_space<vmem>> -> memref<16x8x2048xf32, #tpu.memory_space<vmem>>
      tpu.wait_dma2 semaphore(%dma_wait3A_165 : memref<!tpu.dma_semaphore, #tpu.memory_space<semaphore_mem>>) src(%dma_wait3A_174 : memref<16x8x2048xf32, #tpu.memory_space<vmem>>) dst(%dma_wait3A_169 : memref<16x8x2048xf32, #tpu.memory_space<any>>)
      %dma_wait3A_175 = arith.constant 1 : i32
      %dma_wait3A_176 = arith.constant 1 : i32
      %dma_wait3A_177 = tpu.memref_slice %arg4[%dma_wait3A_176] : memref<3x!tpu.dma_semaphore, #tpu.memory_space<semaphore_mem>> -> memref<1x!tpu.dma_semaphore, #tpu.memory_space<semaphore_mem>>
      %dma_wait3A_178 = tpu.memref_squeeze %dma_wait3A_177 : memref<1x!tpu.dma_semaphore, #tpu.memory_space<semaphore_mem>> -> memref<!tpu.dma_semaphore, #tpu.memory_space<semaphore_mem>>
      %dma_wait3A_179 = arith.constant 1712 : i32
      %dma_wait3A_180 = arith.constant 0 : i32
      %dma_wait3A_181 = arith.constant 0 : i32
      %dma_wait3A_182 = tpu.memref_slice %arg2[%dma_wait3A_179, %dma_wait3A_180, %dma_wait3A_181] : memref<2048x8x2048xf32, #tpu.memory_space<any>> -> memref<16x8x2048xf32, #tpu.memory_space<any>>
      %dma_wait3A_183 = arith.constant 48 : i32
      %dma_wait3A_184 = arith.constant 0 : i32
      %dma_wait3A_185 = arith.constant 0 : i32
      %dma_wait3A_186 = tpu.memref_slice %arg3[%dma_wait3A_175, %dma_wait3A_183, %dma_wait3A_184, %dma_wait3A_185] : memref<3x128x8x2048xf32, #tpu.memory_space<vmem>> -> memref<1x16x8x2048xf32, #tpu.memory_space<vmem>>
      %dma_wait3A_187 = tpu.memref_squeeze %dma_wait3A_186 : memref<1x16x8x2048xf32, #tpu.memory_space<vmem>> -> memref<16x8x2048xf32, #tpu.memory_space<vmem>>
      tpu.wait_dma2 semaphore(%dma_wait3A_178 : memref<!tpu.dma_semaphore, #tpu.memory_space<semaphore_mem>>) src(%dma_wait3A_187 : memref<16x8x2048xf32, #tpu.memory_space<vmem>>) dst(%dma_wait3A_182 : memref<16x8x2048xf32, #tpu.memory_space<any>>)
      %dma_wait3A_188 = arith.constant 1 : i32
      %dma_wait3A_189 = arith.constant 1 : i32
      %dma_wait3A_190 = tpu.memref_slice %arg4[%dma_wait3A_189] : memref<3x!tpu.dma_semaphore, #tpu.memory_space<semaphore_mem>> -> memref<1x!tpu.dma_semaphore, #tpu.memory_space<semaphore_mem>>
      %dma_wait3A_191 = tpu.memref_squeeze %dma_wait3A_190 : memref<1x!tpu.dma_semaphore, #tpu.memory_space<semaphore_mem>> -> memref<!tpu.dma_semaphore, #tpu.memory_space<semaphore_mem>>
      %dma_wait3A_192 = arith.constant 1728 : i32
      %dma_wait3A_193 = arith.constant 0 : i32
      %dma_wait3A_194 = arith.constant 0 : i32
      %dma_wait3A_195 = tpu.memref_slice %arg2[%dma_wait3A_192, %dma_wait3A_193, %dma_wait3A_194] : memref<2048x8x2048xf32, #tpu.memory_space<any>> -> memref<16x8x2048xf32, #tpu.memory_space<any>>
      %dma_wait3A_196 = arith.constant 64 : i32
      %dma_wait3A_197 = arith.constant 0 : i32
      %dma_wait3A_198 = arith.constant 0 : i32
      %dma_wait3A_199 = tpu.memref_slice %arg3[%dma_wait3A_188, %dma_wait3A_196, %dma_wait3A_197, %dma_wait3A_198] : memref<3x128x8x2048xf32, #tpu.memory_space<vmem>> -> memref<1x16x8x2048xf32, #tpu.memory_space<vmem>>
      %dma_wait3A_200 = tpu.memref_squeeze %dma_wait3A_199 : memref<1x16x8x2048xf32, #tpu.memory_space<vmem>> -> memref<16x8x2048xf32, #tpu.memory_space<vmem>>
      tpu.wait_dma2 semaphore(%dma_wait3A_191 : memref<!tpu.dma_semaphore, #tpu.memory_space<semaphore_mem>>) src(%dma_wait3A_200 : memref<16x8x2048xf32, #tpu.memory_space<vmem>>) dst(%dma_wait3A_195 : memref<16x8x2048xf32, #tpu.memory_space<any>>)
      %dma_wait3A_201 = arith.constant 1 : i32
      %dma_wait3A_202 = arith.constant 1 : i32
      %dma_wait3A_203 = tpu.memref_slice %arg4[%dma_wait3A_202] : memref<3x!tpu.dma_semaphore, #tpu.memory_space<semaphore_mem>> -> memref<1x!tpu.dma_semaphore, #tpu.memory_space<semaphore_mem>>
      %dma_wait3A_204 = tpu.memref_squeeze %dma_wait3A_203 : memref<1x!tpu.dma_semaphore, #tpu.memory_space<semaphore_mem>> -> memref<!tpu.dma_semaphore, #tpu.memory_space<semaphore_mem>>
      %dma_wait3A_205 = arith.constant 1744 : i32
      %dma_wait3A_206 = arith.constant 0 : i32
      %dma_wait3A_207 = arith.constant 0 : i32
      %dma_wait3A_208 = tpu.memref_slice %arg2[%dma_wait3A_205, %dma_wait3A_206, %dma_wait3A_207] : memref<2048x8x2048xf32, #tpu.memory_space<any>> -> memref<16x8x2048xf32, #tpu.memory_space<any>>
      %dma_wait3A_209 = arith.constant 80 : i32
      %dma_wait3A_210 = arith.constant 0 : i32
      %dma_wait3A_211 = arith.constant 0 : i32
      %dma_wait3A_212 = tpu.memref_slice %arg3[%dma_wait3A_201, %dma_wait3A_209, %dma_wait3A_210, %dma_wait3A_211] : memref<3x128x8x2048xf32, #tpu.memory_space<vmem>> -> memref<1x16x8x2048xf32, #tpu.memory_space<vmem>>
      %dma_wait3A_213 = tpu.memref_squeeze %dma_wait3A_212 : memref<1x16x8x2048xf32, #tpu.memory_space<vmem>> -> memref<16x8x2048xf32, #tpu.memory_space<vmem>>
      tpu.wait_dma2 semaphore(%dma_wait3A_204 : memref<!tpu.dma_semaphore, #tpu.memory_space<semaphore_mem>>) src(%dma_wait3A_213 : memref<16x8x2048xf32, #tpu.memory_space<vmem>>) dst(%dma_wait3A_208 : memref<16x8x2048xf32, #tpu.memory_space<any>>)
      %dma_wait3A_214 = arith.constant 1 : i32
      %dma_wait3A_215 = arith.constant 1 : i32
      %dma_wait3A_216 = tpu.memref_slice %arg4[%dma_wait3A_215] : memref<3x!tpu.dma_semaphore, #tpu.memory_space<semaphore_mem>> -> memref<1x!tpu.dma_semaphore, #tpu.memory_space<semaphore_mem>>
      %dma_wait3A_217 = tpu.memref_squeeze %dma_wait3A_216 : memref<1x!tpu.dma_semaphore, #tpu.memory_space<semaphore_mem>> -> memref<!tpu.dma_semaphore, #tpu.memory_space<semaphore_mem>>
      %dma_wait3A_218 = arith.constant 1760 : i32
      %dma_wait3A_219 = arith.constant 0 : i32
      %dma_wait3A_220 = arith.constant 0 : i32
      %dma_wait3A_221 = tpu.memref_slice %arg2[%dma_wait3A_218, %dma_wait3A_219, %dma_wait3A_220] : memref<2048x8x2048xf32, #tpu.memory_space<any>> -> memref<16x8x2048xf32, #tpu.memory_space<any>>
      %dma_wait3A_222 = arith.constant 96 : i32
      %dma_wait3A_223 = arith.constant 0 : i32
      %dma_wait3A_224 = arith.constant 0 : i32
      %dma_wait3A_225 = tpu.memref_slice %arg3[%dma_wait3A_214, %dma_wait3A_222, %dma_wait3A_223, %dma_wait3A_224] : memref<3x128x8x2048xf32, #tpu.memory_space<vmem>> -> memref<1x16x8x2048xf32, #tpu.memory_space<vmem>>
      %dma_wait3A_226 = tpu.memref_squeeze %dma_wait3A_225 : memref<1x16x8x2048xf32, #tpu.memory_space<vmem>> -> memref<16x8x2048xf32, #tpu.memory_space<vmem>>
      tpu.wait_dma2 semaphore(%dma_wait3A_217 : memref<!tpu.dma_semaphore, #tpu.memory_space<semaphore_mem>>) src(%dma_wait3A_226 : memref<16x8x2048xf32, #tpu.memory_space<vmem>>) dst(%dma_wait3A_221 : memref<16x8x2048xf32, #tpu.memory_space<any>>)
      %dma_wait3A_227 = arith.constant 1 : i32
      %dma_wait3A_228 = arith.constant 1 : i32
      %dma_wait3A_229 = tpu.memref_slice %arg4[%dma_wait3A_228] : memref<3x!tpu.dma_semaphore, #tpu.memory_space<semaphore_mem>> -> memref<1x!tpu.dma_semaphore, #tpu.memory_space<semaphore_mem>>
      %dma_wait3A_230 = tpu.memref_squeeze %dma_wait3A_229 : memref<1x!tpu.dma_semaphore, #tpu.memory_space<semaphore_mem>> -> memref<!tpu.dma_semaphore, #tpu.memory_space<semaphore_mem>>
      %dma_wait3A_231 = arith.constant 1776 : i32
      %dma_wait3A_232 = arith.constant 0 : i32
      %dma_wait3A_233 = arith.constant 0 : i32
      %dma_wait3A_234 = tpu.memref_slice %arg2[%dma_wait3A_231, %dma_wait3A_232, %dma_wait3A_233] : memref<2048x8x2048xf32, #tpu.memory_space<any>> -> memref<16x8x2048xf32, #tpu.memory_space<any>>
      %dma_wait3A_235 = arith.constant 112 : i32
      %dma_wait3A_236 = arith.constant 0 : i32
      %dma_wait3A_237 = arith.constant 0 : i32
      %dma_wait3A_238 = tpu.memref_slice %arg3[%dma_wait3A_227, %dma_wait3A_235, %dma_wait3A_236, %dma_wait3A_237] : memref<3x128x8x2048xf32, #tpu.memory_space<vmem>> -> memref<1x16x8x2048xf32, #tpu.memory_space<vmem>>
      %dma_wait3A_239 = tpu.memref_squeeze %dma_wait3A_238 : memref<1x16x8x2048xf32, #tpu.memory_space<vmem>> -> memref<16x8x2048xf32, #tpu.memory_space<vmem>>
      tpu.wait_dma2 semaphore(%dma_wait3A_230 : memref<!tpu.dma_semaphore, #tpu.memory_space<semaphore_mem>>) src(%dma_wait3A_239 : memref<16x8x2048xf32, #tpu.memory_space<vmem>>) dst(%dma_wait3A_234 : memref<16x8x2048xf32, #tpu.memory_space<any>>)
      %dma_wait3A_240 = arith.constant 2 : i32
      %dma_wait3A_241 = arith.constant 2 : i32
      %dma_wait3A_242 = tpu.memref_slice %arg4[%dma_wait3A_241] : memref<3x!tpu.dma_semaphore, #tpu.memory_space<semaphore_mem>> -> memref<1x!tpu.dma_semaphore, #tpu.memory_space<semaphore_mem>>
      %dma_wait3A_243 = tpu.memref_squeeze %dma_wait3A_242 : memref<1x!tpu.dma_semaphore, #tpu.memory_space<semaphore_mem>> -> memref<!tpu.dma_semaphore, #tpu.memory_space<semaphore_mem>>
      %dma_wait3A_244 = arith.constant 1792 : i32
      %dma_wait3A_245 = arith.constant 0 : i32
      %dma_wait3A_246 = arith.constant 0 : i32
      %dma_wait3A_247 = tpu.memref_slice %arg2[%dma_wait3A_244, %dma_wait3A_245, %dma_wait3A_246] : memref<2048x8x2048xf32, #tpu.memory_space<any>> -> memref<16x8x2048xf32, #tpu.memory_space<any>>
      %dma_wait3A_248 = arith.constant 0 : i32
      %dma_wait3A_249 = arith.constant 0 : i32
      %dma_wait3A_250 = arith.constant 0 : i32
      %dma_wait3A_251 = tpu.memref_slice %arg3[%dma_wait3A_240, %dma_wait3A_248, %dma_wait3A_249, %dma_wait3A_250] : memref<3x128x8x2048xf32, #tpu.memory_space<vmem>> -> memref<1x16x8x2048xf32, #tpu.memory_space<vmem>>
      %dma_wait3A_252 = tpu.memref_squeeze %dma_wait3A_251 : memref<1x16x8x2048xf32, #tpu.memory_space<vmem>> -> memref<16x8x2048xf32, #tpu.memory_space<vmem>>
      tpu.wait_dma2 semaphore(%dma_wait3A_243 : memref<!tpu.dma_semaphore, #tpu.memory_space<semaphore_mem>>) src(%dma_wait3A_252 : memref<16x8x2048xf32, #tpu.memory_space<vmem>>) dst(%dma_wait3A_247 : memref<16x8x2048xf32, #tpu.memory_space<any>>)
      %dma_wait3A_253 = arith.constant 2 : i32
      %dma_wait3A_254 = arith.constant 2 : i32
      %dma_wait3A_255 = tpu.memref_slice %arg4[%dma_wait3A_254] : memref<3x!tpu.dma_semaphore, #tpu.memory_space<semaphore_mem>> -> memref<1x!tpu.dma_semaphore, #tpu.memory_space<semaphore_mem>>
      %dma_wait3A_256 = tpu.memref_squeeze %dma_wait3A_255 : memref<1x!tpu.dma_semaphore, #tpu.memory_space<semaphore_mem>> -> memref<!tpu.dma_semaphore, #tpu.memory_space<semaphore_mem>>
      %dma_wait3A_257 = arith.constant 1808 : i32
      %dma_wait3A_258 = arith.constant 0 : i32
      %dma_wait3A_259 = arith.constant 0 : i32
      %dma_wait3A_260 = tpu.memref_slice %arg2[%dma_wait3A_257, %dma_wait3A_258, %dma_wait3A_259] : memref<2048x8x2048xf32, #tpu.memory_space<any>> -> memref<16x8x2048xf32, #tpu.memory_space<any>>
      %dma_wait3A_261 = arith.constant 16 : i32
      %dma_wait3A_262 = arith.constant 0 : i32
      %dma_wait3A_263 = arith.constant 0 : i32
      %dma_wait3A_264 = tpu.memref_slice %arg3[%dma_wait3A_253, %dma_wait3A_261, %dma_wait3A_262, %dma_wait3A_263] : memref<3x128x8x2048xf32, #tpu.memory_space<vmem>> -> memref<1x16x8x2048xf32, #tpu.memory_space<vmem>>
      %dma_wait3A_265 = tpu.memref_squeeze %dma_wait3A_264 : memref<1x16x8x2048xf32, #tpu.memory_space<vmem>> -> memref<16x8x2048xf32, #tpu.memory_space<vmem>>
      tpu.wait_dma2 semaphore(%dma_wait3A_256 : memref<!tpu.dma_semaphore, #tpu.memory_space<semaphore_mem>>) src(%dma_wait3A_265 : memref<16x8x2048xf32, #tpu.memory_space<vmem>>) dst(%dma_wait3A_260 : memref<16x8x2048xf32, #tpu.memory_space<any>>)
      %dma_wait3A_266 = arith.constant 2 : i32
      %dma_wait3A_267 = arith.constant 2 : i32
      %dma_wait3A_268 = tpu.memref_slice %arg4[%dma_wait3A_267] : memref<3x!tpu.dma_semaphore, #tpu.memory_space<semaphore_mem>> -> memref<1x!tpu.dma_semaphore, #tpu.memory_space<semaphore_mem>>
      %dma_wait3A_269 = tpu.memref_squeeze %dma_wait3A_268 : memref<1x!tpu.dma_semaphore, #tpu.memory_space<semaphore_mem>> -> memref<!tpu.dma_semaphore, #tpu.memory_space<semaphore_mem>>
      %dma_wait3A_270 = arith.constant 1824 : i32
      %dma_wait3A_271 = arith.constant 0 : i32
      %dma_wait3A_272 = arith.constant 0 : i32
      %dma_wait3A_273 = tpu.memref_slice %arg2[%dma_wait3A_270, %dma_wait3A_271, %dma_wait3A_272] : memref<2048x8x2048xf32, #tpu.memory_space<any>> -> memref<16x8x2048xf32, #tpu.memory_space<any>>
      %dma_wait3A_274 = arith.constant 32 : i32
      %dma_wait3A_275 = arith.constant 0 : i32
      %dma_wait3A_276 = arith.constant 0 : i32
      %dma_wait3A_277 = tpu.memref_slice %arg3[%dma_wait3A_266, %dma_wait3A_274, %dma_wait3A_275, %dma_wait3A_276] : memref<3x128x8x2048xf32, #tpu.memory_space<vmem>> -> memref<1x16x8x2048xf32, #tpu.memory_space<vmem>>
      %dma_wait3A_278 = tpu.memref_squeeze %dma_wait3A_277 : memref<1x16x8x2048xf32, #tpu.memory_space<vmem>> -> memref<16x8x2048xf32, #tpu.memory_space<vmem>>
      tpu.wait_dma2 semaphore(%dma_wait3A_269 : memref<!tpu.dma_semaphore, #tpu.memory_space<semaphore_mem>>) src(%dma_wait3A_278 : memref<16x8x2048xf32, #tpu.memory_space<vmem>>) dst(%dma_wait3A_273 : memref<16x8x2048xf32, #tpu.memory_space<any>>)
      %dma_wait3A_279 = arith.constant 2 : i32
      %dma_wait3A_280 = arith.constant 2 : i32
      %dma_wait3A_281 = tpu.memref_slice %arg4[%dma_wait3A_280] : memref<3x!tpu.dma_semaphore, #tpu.memory_space<semaphore_mem>> -> memref<1x!tpu.dma_semaphore, #tpu.memory_space<semaphore_mem>>
      %dma_wait3A_282 = tpu.memref_squeeze %dma_wait3A_281 : memref<1x!tpu.dma_semaphore, #tpu.memory_space<semaphore_mem>> -> memref<!tpu.dma_semaphore, #tpu.memory_space<semaphore_mem>>
      %dma_wait3A_283 = arith.constant 1840 : i32
      %dma_wait3A_284 = arith.constant 0 : i32
      %dma_wait3A_285 = arith.constant 0 : i32
      %dma_wait3A_286 = tpu.memref_slice %arg2[%dma_wait3A_283, %dma_wait3A_284, %dma_wait3A_285] : memref<2048x8x2048xf32, #tpu.memory_space<any>> -> memref<16x8x2048xf32, #tpu.memory_space<any>>
      %dma_wait3A_287 = arith.constant 48 : i32
      %dma_wait3A_288 = arith.constant 0 : i32
      %dma_wait3A_289 = arith.constant 0 : i32
      %dma_wait3A_290 = tpu.memref_slice %arg3[%dma_wait3A_279, %dma_wait3A_287, %dma_wait3A_288, %dma_wait3A_289] : memref<3x128x8x2048xf32, #tpu.memory_space<vmem>> -> memref<1x16x8x2048xf32, #tpu.memory_space<vmem>>
      %dma_wait3A_291 = tpu.memref_squeeze %dma_wait3A_290 : memref<1x16x8x2048xf32, #tpu.memory_space<vmem>> -> memref<16x8x2048xf32, #tpu.memory_space<vmem>>
      tpu.wait_dma2 semaphore(%dma_wait3A_282 : memref<!tpu.dma_semaphore, #tpu.memory_space<semaphore_mem>>) src(%dma_wait3A_291 : memref<16x8x2048xf32, #tpu.memory_space<vmem>>) dst(%dma_wait3A_286 : memref<16x8x2048xf32, #tpu.memory_space<any>>)
      %dma_wait3A_292 = arith.constant 2 : i32
      %dma_wait3A_293 = arith.constant 2 : i32
      %dma_wait3A_294 = tpu.memref_slice %arg4[%dma_wait3A_293] : memref<3x!tpu.dma_semaphore, #tpu.memory_space<semaphore_mem>> -> memref<1x!tpu.dma_semaphore, #tpu.memory_space<semaphore_mem>>
      %dma_wait3A_295 = tpu.memref_squeeze %dma_wait3A_294 : memref<1x!tpu.dma_semaphore, #tpu.memory_space<semaphore_mem>> -> memref<!tpu.dma_semaphore, #tpu.memory_space<semaphore_mem>>
      %dma_wait3A_296 = arith.constant 1856 : i32
      %dma_wait3A_297 = arith.constant 0 : i32
      %dma_wait3A_298 = arith.constant 0 : i32
      %dma_wait3A_299 = tpu.memref_slice %arg2[%dma_wait3A_296, %dma_wait3A_297, %dma_wait3A_298] : memref<2048x8x2048xf32, #tpu.memory_space<any>> -> memref<16x8x2048xf32, #tpu.memory_space<any>>
      %dma_wait3A_300 = arith.constant 64 : i32
      %dma_wait3A_301 = arith.constant 0 : i32
      %dma_wait3A_302 = arith.constant 0 : i32
      %dma_wait3A_303 = tpu.memref_slice %arg3[%dma_wait3A_292, %dma_wait3A_300, %dma_wait3A_301, %dma_wait3A_302] : memref<3x128x8x2048xf32, #tpu.memory_space<vmem>> -> memref<1x16x8x2048xf32, #tpu.memory_space<vmem>>
      %dma_wait3A_304 = tpu.memref_squeeze %dma_wait3A_303 : memref<1x16x8x2048xf32, #tpu.memory_space<vmem>> -> memref<16x8x2048xf32, #tpu.memory_space<vmem>>
      tpu.wait_dma2 semaphore(%dma_wait3A_295 : memref<!tpu.dma_semaphore, #tpu.memory_space<semaphore_mem>>) src(%dma_wait3A_304 : memref<16x8x2048xf32, #tpu.memory_space<vmem>>) dst(%dma_wait3A_299 : memref<16x8x2048xf32, #tpu.memory_space<any>>)
      %dma_wait3A_305 = arith.constant 2 : i32
      %dma_wait3A_306 = arith.constant 2 : i32
      %dma_wait3A_307 = tpu.memref_slice %arg4[%dma_wait3A_306] : memref<3x!tpu.dma_semaphore, #tpu.memory_space<semaphore_mem>> -> memref<1x!tpu.dma_semaphore, #tpu.memory_space<semaphore_mem>>
      %dma_wait3A_308 = tpu.memref_squeeze %dma_wait3A_307 : memref<1x!tpu.dma_semaphore, #tpu.memory_space<semaphore_mem>> -> memref<!tpu.dma_semaphore, #tpu.memory_space<semaphore_mem>>
      %dma_wait3A_309 = arith.constant 1872 : i32
      %dma_wait3A_310 = arith.constant 0 : i32
      %dma_wait3A_311 = arith.constant 0 : i32
      %dma_wait3A_312 = tpu.memref_slice %arg2[%dma_wait3A_309, %dma_wait3A_310, %dma_wait3A_311] : memref<2048x8x2048xf32, #tpu.memory_space<any>> -> memref<16x8x2048xf32, #tpu.memory_space<any>>
      %dma_wait3A_313 = arith.constant 80 : i32
      %dma_wait3A_314 = arith.constant 0 : i32
      %dma_wait3A_315 = arith.constant 0 : i32
      %dma_wait3A_316 = tpu.memref_slice %arg3[%dma_wait3A_305, %dma_wait3A_313, %dma_wait3A_314, %dma_wait3A_315] : memref<3x128x8x2048xf32, #tpu.memory_space<vmem>> -> memref<1x16x8x2048xf32, #tpu.memory_space<vmem>>
      %dma_wait3A_317 = tpu.memref_squeeze %dma_wait3A_316 : memref<1x16x8x2048xf32, #tpu.memory_space<vmem>> -> memref<16x8x2048xf32, #tpu.memory_space<vmem>>
      tpu.wait_dma2 semaphore(%dma_wait3A_308 : memref<!tpu.dma_semaphore, #tpu.memory_space<semaphore_mem>>) src(%dma_wait3A_317 : memref<16x8x2048xf32, #tpu.memory_space<vmem>>) dst(%dma_wait3A_312 : memref<16x8x2048xf32, #tpu.memory_space<any>>)
      %dma_wait3A_318 = arith.constant 2 : i32
      %dma_wait3A_319 = arith.constant 2 : i32
      %dma_wait3A_320 = tpu.memref_slice %arg4[%dma_wait3A_319] : memref<3x!tpu.dma_semaphore, #tpu.memory_space<semaphore_mem>> -> memref<1x!tpu.dma_semaphore, #tpu.memory_space<semaphore_mem>>
      %dma_wait3A_321 = tpu.memref_squeeze %dma_wait3A_320 : memref<1x!tpu.dma_semaphore, #tpu.memory_space<semaphore_mem>> -> memref<!tpu.dma_semaphore, #tpu.memory_space<semaphore_mem>>
      %dma_wait3A_322 = arith.constant 1888 : i32
      %dma_wait3A_323 = arith.constant 0 : i32
      %dma_wait3A_324 = arith.constant 0 : i32
      %dma_wait3A_325 = tpu.memref_slice %arg2[%dma_wait3A_322, %dma_wait3A_323, %dma_wait3A_324] : memref<2048x8x2048xf32, #tpu.memory_space<any>> -> memref<16x8x2048xf32, #tpu.memory_space<any>>
      %dma_wait3A_326 = arith.constant 96 : i32
      %dma_wait3A_327 = arith.constant 0 : i32
      %dma_wait3A_328 = arith.constant 0 : i32
      %dma_wait3A_329 = tpu.memref_slice %arg3[%dma_wait3A_318, %dma_wait3A_326, %dma_wait3A_327, %dma_wait3A_328] : memref<3x128x8x2048xf32, #tpu.memory_space<vmem>> -> memref<1x16x8x2048xf32, #tpu.memory_space<vmem>>
      %dma_wait3A_330 = tpu.memref_squeeze %dma_wait3A_329 : memref<1x16x8x2048xf32, #tpu.memory_space<vmem>> -> memref<16x8x2048xf32, #tpu.memory_space<vmem>>
      tpu.wait_dma2 semaphore(%dma_wait3A_321 : memref<!tpu.dma_semaphore, #tpu.memory_space<semaphore_mem>>) src(%dma_wait3A_330 : memref<16x8x2048xf32, #tpu.memory_space<vmem>>) dst(%dma_wait3A_325 : memref<16x8x2048xf32, #tpu.memory_space<any>>)
      %dma_wait3A_331 = arith.constant 2 : i32
      %dma_wait3A_332 = arith.constant 2 : i32
      %dma_wait3A_333 = tpu.memref_slice %arg4[%dma_wait3A_332] : memref<3x!tpu.dma_semaphore, #tpu.memory_space<semaphore_mem>> -> memref<1x!tpu.dma_semaphore, #tpu.memory_space<semaphore_mem>>
      %dma_wait3A_334 = tpu.memref_squeeze %dma_wait3A_333 : memref<1x!tpu.dma_semaphore, #tpu.memory_space<semaphore_mem>> -> memref<!tpu.dma_semaphore, #tpu.memory_space<semaphore_mem>>
      %dma_wait3A_335 = arith.constant 1904 : i32
      %dma_wait3A_336 = arith.constant 0 : i32
      %dma_wait3A_337 = arith.constant 0 : i32
      %dma_wait3A_338 = tpu.memref_slice %arg2[%dma_wait3A_335, %dma_wait3A_336, %dma_wait3A_337] : memref<2048x8x2048xf32, #tpu.memory_space<any>> -> memref<16x8x2048xf32, #tpu.memory_space<any>>
      %dma_wait3A_339 = arith.constant 112 : i32
      %dma_wait3A_340 = arith.constant 0 : i32
      %dma_wait3A_341 = arith.constant 0 : i32
      %dma_wait3A_342 = tpu.memref_slice %arg3[%dma_wait3A_331, %dma_wait3A_339, %dma_wait3A_340, %dma_wait3A_341] : memref<3x128x8x2048xf32, #tpu.memory_space<vmem>> -> memref<1x16x8x2048xf32, #tpu.memory_space<vmem>>
      %dma_wait3A_343 = tpu.memref_squeeze %dma_wait3A_342 : memref<1x16x8x2048xf32, #tpu.memory_space<vmem>> -> memref<16x8x2048xf32, #tpu.memory_space<vmem>>
      tpu.wait_dma2 semaphore(%dma_wait3A_334 : memref<!tpu.dma_semaphore, #tpu.memory_space<semaphore_mem>>) src(%dma_wait3A_343 : memref<16x8x2048xf32, #tpu.memory_space<vmem>>) dst(%dma_wait3A_338 : memref<16x8x2048xf32, #tpu.memory_space<any>>)
      %dma_wait3A_344 = arith.constant 0 : i32
      %dma_wait3A_345 = arith.constant 0 : i32
      %dma_wait3A_346 = tpu.memref_slice %arg4[%dma_wait3A_345] : memref<3x!tpu.dma_semaphore, #tpu.memory_space<semaphore_mem>> -> memref<1x!tpu.dma_semaphore, #tpu.memory_space<semaphore_mem>>
      %dma_wait3A_347 = tpu.memref_squeeze %dma_wait3A_346 : memref<1x!tpu.dma_semaphore, #tpu.memory_space<semaphore_mem>> -> memref<!tpu.dma_semaphore, #tpu.memory_space<semaphore_mem>>
      %dma_wait3A_348 = arith.constant 1920 : i32
      %dma_wait3A_349 = arith.constant 0 : i32
      %dma_wait3A_350 = arith.constant 0 : i32
      %dma_wait3A_351 = tpu.memref_slice %arg2[%dma_wait3A_348, %dma_wait3A_349, %dma_wait3A_350] : memref<2048x8x2048xf32, #tpu.memory_space<any>> -> memref<16x8x2048xf32, #tpu.memory_space<any>>
      %dma_wait3A_352 = arith.constant 0 : i32
      %dma_wait3A_353 = arith.constant 0 : i32
      %dma_wait3A_354 = arith.constant 0 : i32
      %dma_wait3A_355 = tpu.memref_slice %arg3[%dma_wait3A_344, %dma_wait3A_352, %dma_wait3A_353, %dma_wait3A_354] : memref<3x128x8x2048xf32, #tpu.memory_space<vmem>> -> memref<1x16x8x2048xf32, #tpu.memory_space<vmem>>
      %dma_wait3A_356 = tpu.memref_squeeze %dma_wait3A_355 : memref<1x16x8x2048xf32, #tpu.memory_space<vmem>> -> memref<16x8x2048xf32, #tpu.memory_space<vmem>>
      tpu.wait_dma2 semaphore(%dma_wait3A_347 : memref<!tpu.dma_semaphore, #tpu.memory_space<semaphore_mem>>) src(%dma_wait3A_356 : memref<16x8x2048xf32, #tpu.memory_space<vmem>>) dst(%dma_wait3A_351 : memref<16x8x2048xf32, #tpu.memory_space<any>>)
      %dma_wait3A_357 = arith.constant 0 : i32
      %dma_wait3A_358 = arith.constant 0 : i32
      %dma_wait3A_359 = tpu.memref_slice %arg4[%dma_wait3A_358] : memref<3x!tpu.dma_semaphore, #tpu.memory_space<semaphore_mem>> -> memref<1x!tpu.dma_semaphore, #tpu.memory_space<semaphore_mem>>
      %dma_wait3A_360 = tpu.memref_squeeze %dma_wait3A_359 : memref<1x!tpu.dma_semaphore, #tpu.memory_space<semaphore_mem>> -> memref<!tpu.dma_semaphore, #tpu.memory_space<semaphore_mem>>
      %dma_wait3A_361 = arith.constant 1936 : i32
      %dma_wait3A_362 = arith.constant 0 : i32
      %dma_wait3A_363 = arith.constant 0 : i32
      %dma_wait3A_364 = tpu.memref_slice %arg2[%dma_wait3A_361, %dma_wait3A_362, %dma_wait3A_363] : memref<2048x8x2048xf32, #tpu.memory_space<any>> -> memref<16x8x2048xf32, #tpu.memory_space<any>>
      %dma_wait3A_365 = arith.constant 16 : i32
      %dma_wait3A_366 = arith.constant 0 : i32
      %dma_wait3A_367 = arith.constant 0 : i32
      %dma_wait3A_368 = tpu.memref_slice %arg3[%dma_wait3A_357, %dma_wait3A_365, %dma_wait3A_366, %dma_wait3A_367] : memref<3x128x8x2048xf32, #tpu.memory_space<vmem>> -> memref<1x16x8x2048xf32, #tpu.memory_space<vmem>>
      %dma_wait3A_369 = tpu.memref_squeeze %dma_wait3A_368 : memref<1x16x8x2048xf32, #tpu.memory_space<vmem>> -> memref<16x8x2048xf32, #tpu.memory_space<vmem>>
      tpu.wait_dma2 semaphore(%dma_wait3A_360 : memref<!tpu.dma_semaphore, #tpu.memory_space<semaphore_mem>>) src(%dma_wait3A_369 : memref<16x8x2048xf32, #tpu.memory_space<vmem>>) dst(%dma_wait3A_364 : memref<16x8x2048xf32, #tpu.memory_space<any>>)
      %dma_wait3A_370 = arith.constant 0 : i32
      %dma_wait3A_371 = arith.constant 0 : i32
      %dma_wait3A_372 = tpu.memref_slice %arg4[%dma_wait3A_371] : memref<3x!tpu.dma_semaphore, #tpu.memory_space<semaphore_mem>> -> memref<1x!tpu.dma_semaphore, #tpu.memory_space<semaphore_mem>>
      %dma_wait3A_373 = tpu.memref_squeeze %dma_wait3A_372 : memref<1x!tpu.dma_semaphore, #tpu.memory_space<semaphore_mem>> -> memref<!tpu.dma_semaphore, #tpu.memory_space<semaphore_mem>>
      %dma_wait3A_374 = arith.constant 1952 : i32
      %dma_wait3A_375 = arith.constant 0 : i32
      %dma_wait3A_376 = arith.constant 0 : i32
      %dma_wait3A_377 = tpu.memref_slice %arg2[%dma_wait3A_374, %dma_wait3A_375, %dma_wait3A_376] : memref<2048x8x2048xf32, #tpu.memory_space<any>> -> memref<16x8x2048xf32, #tpu.memory_space<any>>
      %dma_wait3A_378 = arith.constant 32 : i32
      %dma_wait3A_379 = arith.constant 0 : i32
      %dma_wait3A_380 = arith.constant 0 : i32
      %dma_wait3A_381 = tpu.memref_slice %arg3[%dma_wait3A_370, %dma_wait3A_378, %dma_wait3A_379, %dma_wait3A_380] : memref<3x128x8x2048xf32, #tpu.memory_space<vmem>> -> memref<1x16x8x2048xf32, #tpu.memory_space<vmem>>
      %dma_wait3A_382 = tpu.memref_squeeze %dma_wait3A_381 : memref<1x16x8x2048xf32, #tpu.memory_space<vmem>> -> memref<16x8x2048xf32, #tpu.memory_space<vmem>>
      tpu.wait_dma2 semaphore(%dma_wait3A_373 : memref<!tpu.dma_semaphore, #tpu.memory_space<semaphore_mem>>) src(%dma_wait3A_382 : memref<16x8x2048xf32, #tpu.memory_space<vmem>>) dst(%dma_wait3A_377 : memref<16x8x2048xf32, #tpu.memory_space<any>>)
      %dma_wait3A_383 = arith.constant 0 : i32
      %dma_wait3A_384 = arith.constant 0 : i32
      %dma_wait3A_385 = tpu.memref_slice %arg4[%dma_wait3A_384] : memref<3x!tpu.dma_semaphore, #tpu.memory_space<semaphore_mem>> -> memref<1x!tpu.dma_semaphore, #tpu.memory_space<semaphore_mem>>
      %dma_wait3A_386 = tpu.memref_squeeze %dma_wait3A_385 : memref<1x!tpu.dma_semaphore, #tpu.memory_space<semaphore_mem>> -> memref<!tpu.dma_semaphore, #tpu.memory_space<semaphore_mem>>
      %dma_wait3A_387 = arith.constant 1968 : i32
      %dma_wait3A_388 = arith.constant 0 : i32
      %dma_wait3A_389 = arith.constant 0 : i32
      %dma_wait3A_390 = tpu.memref_slice %arg2[%dma_wait3A_387, %dma_wait3A_388, %dma_wait3A_389] : memref<2048x8x2048xf32, #tpu.memory_space<any>> -> memref<16x8x2048xf32, #tpu.memory_space<any>>
      %dma_wait3A_391 = arith.constant 48 : i32
      %dma_wait3A_392 = arith.constant 0 : i32
      %dma_wait3A_393 = arith.constant 0 : i32
      %dma_wait3A_394 = tpu.memref_slice %arg3[%dma_wait3A_383, %dma_wait3A_391, %dma_wait3A_392, %dma_wait3A_393] : memref<3x128x8x2048xf32, #tpu.memory_space<vmem>> -> memref<1x16x8x2048xf32, #tpu.memory_space<vmem>>
      %dma_wait3A_395 = tpu.memref_squeeze %dma_wait3A_394 : memref<1x16x8x2048xf32, #tpu.memory_space<vmem>> -> memref<16x8x2048xf32, #tpu.memory_space<vmem>>
      tpu.wait_dma2 semaphore(%dma_wait3A_386 : memref<!tpu.dma_semaphore, #tpu.memory_space<semaphore_mem>>) src(%dma_wait3A_395 : memref<16x8x2048xf32, #tpu.memory_space<vmem>>) dst(%dma_wait3A_390 : memref<16x8x2048xf32, #tpu.memory_space<any>>)
      %dma_wait3A_396 = arith.constant 0 : i32
      %dma_wait3A_397 = arith.constant 0 : i32
      %dma_wait3A_398 = tpu.memref_slice %arg4[%dma_wait3A_397] : memref<3x!tpu.dma_semaphore, #tpu.memory_space<semaphore_mem>> -> memref<1x!tpu.dma_semaphore, #tpu.memory_space<semaphore_mem>>
      %dma_wait3A_399 = tpu.memref_squeeze %dma_wait3A_398 : memref<1x!tpu.dma_semaphore, #tpu.memory_space<semaphore_mem>> -> memref<!tpu.dma_semaphore, #tpu.memory_space<semaphore_mem>>
      %dma_wait3A_400 = arith.constant 1984 : i32
      %dma_wait3A_401 = arith.constant 0 : i32
      %dma_wait3A_402 = arith.constant 0 : i32
      %dma_wait3A_403 = tpu.memref_slice %arg2[%dma_wait3A_400, %dma_wait3A_401, %dma_wait3A_402] : memref<2048x8x2048xf32, #tpu.memory_space<any>> -> memref<16x8x2048xf32, #tpu.memory_space<any>>
      %dma_wait3A_404 = arith.constant 64 : i32
      %dma_wait3A_405 = arith.constant 0 : i32
      %dma_wait3A_406 = arith.constant 0 : i32
      %dma_wait3A_407 = tpu.memref_slice %arg3[%dma_wait3A_396, %dma_wait3A_404, %dma_wait3A_405, %dma_wait3A_406] : memref<3x128x8x2048xf32, #tpu.memory_space<vmem>> -> memref<1x16x8x2048xf32, #tpu.memory_space<vmem>>
      %dma_wait3A_408 = tpu.memref_squeeze %dma_wait3A_407 : memref<1x16x8x2048xf32, #tpu.memory_space<vmem>> -> memref<16x8x2048xf32, #tpu.memory_space<vmem>>
      tpu.wait_dma2 semaphore(%dma_wait3A_399 : memref<!tpu.dma_semaphore, #tpu.memory_space<semaphore_mem>>) src(%dma_wait3A_408 : memref<16x8x2048xf32, #tpu.memory_space<vmem>>) dst(%dma_wait3A_403 : memref<16x8x2048xf32, #tpu.memory_space<any>>)
      %dma_wait3A_409 = arith.constant 0 : i32
      %dma_wait3A_410 = arith.constant 0 : i32
      %dma_wait3A_411 = tpu.memref_slice %arg4[%dma_wait3A_410] : memref<3x!tpu.dma_semaphore, #tpu.memory_space<semaphore_mem>> -> memref<1x!tpu.dma_semaphore, #tpu.memory_space<semaphore_mem>>
      %dma_wait3A_412 = tpu.memref_squeeze %dma_wait3A_411 : memref<1x!tpu.dma_semaphore, #tpu.memory_space<semaphore_mem>> -> memref<!tpu.dma_semaphore, #tpu.memory_space<semaphore_mem>>
      %dma_wait3A_413 = arith.constant 2000 : i32
      %dma_wait3A_414 = arith.constant 0 : i32
      %dma_wait3A_415 = arith.constant 0 : i32
      %dma_wait3A_416 = tpu.memref_slice %arg2[%dma_wait3A_413, %dma_wait3A_414, %dma_wait3A_415] : memref<2048x8x2048xf32, #tpu.memory_space<any>> -> memref<16x8x2048xf32, #tpu.memory_space<any>>
      %dma_wait3A_417 = arith.constant 80 : i32
      %dma_wait3A_418 = arith.constant 0 : i32
      %dma_wait3A_419 = arith.constant 0 : i32
      %dma_wait3A_420 = tpu.memref_slice %arg3[%dma_wait3A_409, %dma_wait3A_417, %dma_wait3A_418, %dma_wait3A_419] : memref<3x128x8x2048xf32, #tpu.memory_space<vmem>> -> memref<1x16x8x2048xf32, #tpu.memory_space<vmem>>
      %dma_wait3A_421 = tpu.memref_squeeze %dma_wait3A_420 : memref<1x16x8x2048xf32, #tpu.memory_space<vmem>> -> memref<16x8x2048xf32, #tpu.memory_space<vmem>>
      tpu.wait_dma2 semaphore(%dma_wait3A_412 : memref<!tpu.dma_semaphore, #tpu.memory_space<semaphore_mem>>) src(%dma_wait3A_421 : memref<16x8x2048xf32, #tpu.memory_space<vmem>>) dst(%dma_wait3A_416 : memref<16x8x2048xf32, #tpu.memory_space<any>>)
      %dma_wait3A_422 = arith.constant 0 : i32
      %dma_wait3A_423 = arith.constant 0 : i32
      %dma_wait3A_424 = tpu.memref_slice %arg4[%dma_wait3A_423] : memref<3x!tpu.dma_semaphore, #tpu.memory_space<semaphore_mem>> -> memref<1x!tpu.dma_semaphore, #tpu.memory_space<semaphore_mem>>
      %dma_wait3A_425 = tpu.memref_squeeze %dma_wait3A_424 : memref<1x!tpu.dma_semaphore, #tpu.memory_space<semaphore_mem>> -> memref<!tpu.dma_semaphore, #tpu.memory_space<semaphore_mem>>
      %dma_wait3A_426 = arith.constant 2016 : i32
      %dma_wait3A_427 = arith.constant 0 : i32
      %dma_wait3A_428 = arith.constant 0 : i32
      %dma_wait3A_429 = tpu.memref_slice %arg2[%dma_wait3A_426, %dma_wait3A_427, %dma_wait3A_428] : memref<2048x8x2048xf32, #tpu.memory_space<any>> -> memref<16x8x2048xf32, #tpu.memory_space<any>>
      %dma_wait3A_430 = arith.constant 96 : i32
      %dma_wait3A_431 = arith.constant 0 : i32
      %dma_wait3A_432 = arith.constant 0 : i32
      %dma_wait3A_433 = tpu.memref_slice %arg3[%dma_wait3A_422, %dma_wait3A_430, %dma_wait3A_431, %dma_wait3A_432] : memref<3x128x8x2048xf32, #tpu.memory_space<vmem>> -> memref<1x16x8x2048xf32, #tpu.memory_space<vmem>>
      %dma_wait3A_434 = tpu.memref_squeeze %dma_wait3A_433 : memref<1x16x8x2048xf32, #tpu.memory_space<vmem>> -> memref<16x8x2048xf32, #tpu.memory_space<vmem>>
      tpu.wait_dma2 semaphore(%dma_wait3A_425 : memref<!tpu.dma_semaphore, #tpu.memory_space<semaphore_mem>>) src(%dma_wait3A_434 : memref<16x8x2048xf32, #tpu.memory_space<vmem>>) dst(%dma_wait3A_429 : memref<16x8x2048xf32, #tpu.memory_space<any>>)
      %dma_wait3A_435 = arith.constant 0 : i32
      %dma_wait3A_436 = arith.constant 0 : i32
      %dma_wait3A_437 = tpu.memref_slice %arg4[%dma_wait3A_436] : memref<3x!tpu.dma_semaphore, #tpu.memory_space<semaphore_mem>> -> memref<1x!tpu.dma_semaphore, #tpu.memory_space<semaphore_mem>>
      %dma_wait3A_438 = tpu.memref_squeeze %dma_wait3A_437 : memref<1x!tpu.dma_semaphore, #tpu.memory_space<semaphore_mem>> -> memref<!tpu.dma_semaphore, #tpu.memory_space<semaphore_mem>>
      %dma_wait3A_439 = arith.constant 2032 : i32
      %dma_wait3A_440 = arith.constant 0 : i32
      %dma_wait3A_441 = arith.constant 0 : i32
      %dma_wait3A_442 = tpu.memref_slice %arg2[%dma_wait3A_439, %dma_wait3A_440, %dma_wait3A_441] : memref<2048x8x2048xf32, #tpu.memory_space<any>> -> memref<16x8x2048xf32, #tpu.memory_space<any>>
      %dma_wait3A_443 = arith.constant 112 : i32
      %dma_wait3A_444 = arith.constant 0 : i32
      %dma_wait3A_445 = arith.constant 0 : i32
      %dma_wait3A_446 = tpu.memref_slice %arg3[%dma_wait3A_435, %dma_wait3A_443, %dma_wait3A_444, %dma_wait3A_445] : memref<3x128x8x2048xf32, #tpu.memory_space<vmem>> -> memref<1x16x8x2048xf32, #tpu.memory_space<vmem>>
      %dma_wait3A_447 = tpu.memref_squeeze %dma_wait3A_446 : memref<1x16x8x2048xf32, #tpu.memory_space<vmem>> -> memref<16x8x2048xf32, #tpu.memory_space<vmem>>
      tpu.wait_dma2 semaphore(%dma_wait3A_438 : memref<!tpu.dma_semaphore, #tpu.memory_space<semaphore_mem>>) src(%dma_wait3A_447 : memref<16x8x2048xf32, #tpu.memory_space<vmem>>) dst(%dma_wait3A_442 : memref<16x8x2048xf32, #tpu.memory_space<any>>)
    } else {
    }
    return
  }
  func.func @transform_0(%arg0: i32) -> (i32, i32) {
    %c0_i32 = arith.constant 0 : i32
    %c0_i32_0 = arith.constant 0 : i32
    %c0_i32_1 = arith.constant 0 : i32
    return %c0_i32, %c0_i32_0 : i32, i32
  }
}

module attributes {stable_mosaic.version = 14 : i64} {
  func.func @_gates_mask_kernel(%arg0: i32, %arg1: memref<2048x1024xf32, #tpu.memory_space<vmem>>, %arg2: memref<8x1024xf32, #tpu.memory_space<vmem>>, %arg3: memref<2048x8xf32, #tpu.memory_space<vmem>>, %arg4: memref<1x1xf32, #tpu.memory_space<smem>>, %arg5: memref<2048x16384xi8, #tpu.memory_space<any>>, %arg6: memref<2048x8xf32, #tpu.memory_space<vmem>>, %arg7: memref<3x128x16384xi8, #tpu.memory_space<vmem>>, %arg8: memref<3x!tpu.dma_semaphore, #tpu.memory_space<semaphore_mem>>) attributes {dimension_semantics = [#tpu.dimension_semantics<arbitrary>], iteration_bounds = array<i64: 16>, scalar_prefetch = 0 : i64, scratch_operands = 3 : i64, tpu.core_type = #tpu.core_type<tc>, window_params = [{pipeline_mode = #tpu.pipeline_mode<synchronous>, transform_indices = @transform_0, window_bounds = array<i64: 2048, 1024>}, {pipeline_mode = #tpu.pipeline_mode<synchronous>, transform_indices = @transform_1, window_bounds = array<i64: 8, 1024>}, {pipeline_mode = #tpu.pipeline_mode<synchronous>, transform_indices = @transform_2, window_bounds = array<i64: 2048, 8>}, {transform_indices = @transform_3, window_bounds = array<i64: 1, 1>}, {}]} {
    %rem3A = arith.constant 3 : i32
    %rem3A_0 = arith.remsi %arg0, %rem3A : i32
    %eq3A = arith.constant 0 : i32
    %eq3A_1 = arith.cmpi eq, %arg0, %eq3A : i32
    %convert_element_type3A = arith.extui %eq3A_1 : i1 to i32
    %cond3A = arith.constant 0 : i32
    %cond3A_2 = arith.cmpi ne, %convert_element_type3A, %cond3A : i32
    scf.if %cond3A_2 {
      %get3A_193 = arith.constant 0 : index
      %get3A_194 = arith.constant 0 : index
      %get3A_195 = vector.load %arg1[%get3A_193, %get3A_194] : memref<2048x1024xf32, #tpu.memory_space<vmem>>, vector<2048x1024xf32>
      %get3A_196 = arith.constant 0 : index
      %get3A_197 = arith.constant 0 : index
      %get3A_198 = vector.load %arg2[%get3A_196, %get3A_197] : memref<8x1024xf32, #tpu.memory_space<vmem>>, vector<8x1024xf32>
      %dot_general3A = arith.constant dense<0.000000e+00> : vector<2048x8xf32>
      %dot_general3A_199 = tpu.matmul %get3A_195, %get3A_198, %dot_general3A {dimension_numbers = #tpu.dot_dimension_numbers<[1], [1], [0], [0], [0, 0, 1, 0], [], []>, transpose_lhs_hint = false} : vector<2048x1024xf32>, vector<8x1024xf32>, vector<2048x8xf32> -> vector<2048x8xf32>
      %reduce_max3A = arith.constant dense<0xFF800000> : vector<2048xf32>
      %reduce_max3A_200 = vector.multi_reduction <maximumf>, %dot_general3A_199, %reduce_max3A [1] : vector<2048x8xf32> to vector<2048xf32>
      %broadcast_in_dim3A_201 = vector.shape_cast %reduce_max3A_200 : vector<2048xf32> to vector<2048x1xf32>
      %sub3A = vector.broadcast %broadcast_in_dim3A_201 : vector<2048x1xf32> to vector<2048x8xf32>
      %sub3A_202 = arith.subf %dot_general3A_199, %sub3A : vector<2048x8xf32>
      %exp3A = math.exp %sub3A_202 : vector<2048x8xf32>
      %reduce_sum3A = arith.constant dense<0.000000e+00> : vector<2048xf32>
      %reduce_sum3A_203 = vector.multi_reduction <add>, %exp3A, %reduce_sum3A [1] : vector<2048x8xf32> to vector<2048xf32>
      %broadcast_in_dim3A_204 = vector.shape_cast %reduce_sum3A_203 : vector<2048xf32> to vector<2048x1xf32>
      %div3A = vector.broadcast %broadcast_in_dim3A_204 : vector<2048x1xf32> to vector<2048x8xf32>
      %div3A_205 = arith.divf %exp3A, %div3A : vector<2048x8xf32>
      %swap3A_206 = arith.constant 0 : index
      %swap3A_207 = arith.constant 0 : index
      %swap3A_208 = vector.load %arg3[%swap3A_206, %swap3A_207] : memref<2048x8xf32, #tpu.memory_space<vmem>>, vector<2048x8xf32>
      tpu.vector_store %arg3[%swap3A_206, %swap3A_207], %div3A_205 {strides = array<i32>} : memref<2048x8xf32, #tpu.memory_space<vmem>>, vector<2048x8xf32>,
      %swap3A_209 = arith.constant 0 : index
      %swap3A_210 = arith.constant 0 : index
      %swap3A_211 = vector.load %arg6[%swap3A_209, %swap3A_210] : memref<2048x8xf32, #tpu.memory_space<vmem>>, vector<2048x8xf32>
      tpu.vector_store %arg6[%swap3A_209, %swap3A_210], %div3A_205 {strides = array<i32>} : memref<2048x8xf32, #tpu.memory_space<vmem>>, vector<2048x8xf32>,
      %add3A_212 = arith.constant 9.99999971E-10 : f32
      %add3A_213 = vector.broadcast %add3A_212 : f32 to vector<2048x8xf32>
      %add3A_214 = arith.addf %div3A_205, %add3A_213 : vector<2048x8xf32>
      %log3A = math.log %add3A_214 : vector<2048x8xf32>
      %mul3A_215 = arith.mulf %div3A_205, %log3A : vector<2048x8xf32>
      %reduce_sum3A_216 = arith.constant dense<0.000000e+00> : vector<2048xf32>
      %reduce_sum3A_217 = vector.multi_reduction <add>, %mul3A_215, %reduce_sum3A_216 [1] : vector<2048x8xf32> to vector<2048xf32>
      %neg3A = arith.constant 0.000000e+00 : f32
      %neg3A_218 = vector.broadcast %neg3A : f32 to vector<2048xf32>
      %neg3A_219 = arith.subf %neg3A_218, %reduce_sum3A_217 : vector<2048xf32>
      %reduce_sum3A_220 = vector.shape_cast %neg3A_219 : vector<2048xf32> to vector<1x2048xf32>
      %reduce_sum3A_221 = arith.constant dense<0.000000e+00> : vector<1xf32>
      %reduce_sum3A_222 = vector.multi_reduction <add>, %reduce_sum3A_220, %reduce_sum3A_221 [1] : vector<1x2048xf32> to vector<1xf32>
      %reduce_sum3A_223 = vector.shape_cast %reduce_sum3A_222 : vector<1xf32> to vector<1x1xf32>
      %reduce_sum3A_224 = vector.extract %reduce_sum3A_223[0, 0] : f32 from vector<1x1xf32>
      %div3A_225 = arith.constant 2.048000e+03 : f32
      %div3A_226 = arith.divf %reduce_sum3A_224, %div3A_225 : f32
      %swap3A_227 = arith.constant 0 : index
      %swap3A_228 = arith.constant 0 : index
      %swap3A_229 = memref.load %arg4[%swap3A_227, %swap3A_228] : memref<1x1xf32, #tpu.memory_space<smem>>
      memref.store %div3A_226, %arg4[%swap3A_227, %swap3A_228] : memref<1x1xf32, #tpu.memory_space<smem>>
    } else {
    }
    %ge3A = arith.constant 3 : i32
    %ge3A_3 = arith.cmpi sge, %arg0, %ge3A : i32
    %convert_element_type3A_4 = arith.extui %ge3A_3 : i1 to i32
    %cond3A_5 = arith.constant 0 : i32
    %cond3A_6 = arith.cmpi ne, %convert_element_type3A_4, %cond3A_5 : i32
    scf.if %cond3A_6 {
      %sub3A = arith.constant 3 : i32
      %sub3A_193 = arith.subi %arg0, %sub3A : i32
      %mul3A_194 = arith.constant 128 : i32
      %mul3A_195 = arith.muli %sub3A_193, %mul3A_194 : i32
      %add3A_196 = arith.constant 0 : i32
      %add3A_197 = arith.addi %mul3A_195, %add3A_196 : i32
      %mul3A_198 = arith.constant 128 : i32
      %mul3A_199 = arith.muli %sub3A_193, %mul3A_198 : i32
      %add3A_200 = arith.constant 64 : i32
      %add3A_201 = arith.addi %mul3A_199, %add3A_200 : i32
      %dma_wait3A = tpu.memref_slice %arg8[%rem3A_0] : memref<3x!tpu.dma_semaphore, #tpu.memory_space<semaphore_mem>> -> memref<1x!tpu.dma_semaphore, #tpu.memory_space<semaphore_mem>>
      %dma_wait3A_202 = tpu.memref_squeeze %dma_wait3A : memref<1x!tpu.dma_semaphore, #tpu.memory_space<semaphore_mem>> -> memref<!tpu.dma_semaphore, #tpu.memory_space<semaphore_mem>>
      %dma_wait3A_203 = arith.constant 0 : i32
      %dma_wait3A_204 = tpu.memref_slice %arg5[%add3A_197, %dma_wait3A_203] : memref<2048x16384xi8, #tpu.memory_space<any>> -> memref<64x16384xi8, #tpu.memory_space<any>>
      %dma_wait3A_205 = arith.constant 0 : i32
      %dma_wait3A_206 = arith.constant 0 : i32
      %dma_wait3A_207 = tpu.memref_slice %arg7[%rem3A_0, %dma_wait3A_205, %dma_wait3A_206] : memref<3x128x16384xi8, #tpu.memory_space<vmem>> -> memref<1x64x16384xi8, #tpu.memory_space<vmem>>
      %dma_wait3A_208 = tpu.memref_squeeze %dma_wait3A_207 : memref<1x64x16384xi8, #tpu.memory_space<vmem>> -> memref<64x16384xi8, #tpu.memory_space<vmem>>
      tpu.wait_dma2 semaphore(%dma_wait3A_202 : memref<!tpu.dma_semaphore, #tpu.memory_space<semaphore_mem>>) src(%dma_wait3A_208 : memref<64x16384xi8, #tpu.memory_space<vmem>>) dst(%dma_wait3A_204 : memref<64x16384xi8, #tpu.memory_space<any>>)
      %dma_wait3A_209 = tpu.memref_slice %arg8[%rem3A_0] : memref<3x!tpu.dma_semaphore, #tpu.memory_space<semaphore_mem>> -> memref<1x!tpu.dma_semaphore, #tpu.memory_space<semaphore_mem>>
      %dma_wait3A_210 = tpu.memref_squeeze %dma_wait3A_209 : memref<1x!tpu.dma_semaphore, #tpu.memory_space<semaphore_mem>> -> memref<!tpu.dma_semaphore, #tpu.memory_space<semaphore_mem>>
      %dma_wait3A_211 = arith.constant 0 : i32
      %dma_wait3A_212 = tpu.memref_slice %arg5[%add3A_201, %dma_wait3A_211] : memref<2048x16384xi8, #tpu.memory_space<any>> -> memref<64x16384xi8, #tpu.memory_space<any>>
      %dma_wait3A_213 = arith.constant 64 : i32
      %dma_wait3A_214 = arith.constant 0 : i32
      %dma_wait3A_215 = tpu.memref_slice %arg7[%rem3A_0, %dma_wait3A_213, %dma_wait3A_214] : memref<3x128x16384xi8, #tpu.memory_space<vmem>> -> memref<1x64x16384xi8, #tpu.memory_space<vmem>>
      %dma_wait3A_216 = tpu.memref_squeeze %dma_wait3A_215 : memref<1x64x16384xi8, #tpu.memory_space<vmem>> -> memref<64x16384xi8, #tpu.memory_space<vmem>>
      tpu.wait_dma2 semaphore(%dma_wait3A_210 : memref<!tpu.dma_semaphore, #tpu.memory_space<semaphore_mem>>) src(%dma_wait3A_216 : memref<64x16384xi8, #tpu.memory_space<vmem>>) dst(%dma_wait3A_212 : memref<64x16384xi8, #tpu.memory_space<any>>)
    } else {
    }
    %mul3A = arith.constant 128 : i32
    %mul3A_7 = arith.muli %arg0, %mul3A : i32
    %get3A = arith.index_cast %mul3A_7 : i32 to index
    %get3A_8 = arith.constant 0 : index
    %get3A_9 = vector.load %arg6[%get3A, %get3A_8] : memref<2048x8xf32, #tpu.memory_space<vmem>>, vector<128x8xf32>
    %broadcast_in_dim3A = arith.constant 0 : i8
    %broadcast_in_dim3A_10 = vector.broadcast %broadcast_in_dim3A : i8 to vector<128x16384xi8>
    %swap3A = arith.index_cast %rem3A_0 : i32 to index
    %swap3A_11 = arith.constant 0 : index
    %swap3A_12 = arith.constant 0 : index
    %swap3A_13 = vector.load %arg7[%swap3A, %swap3A_11, %swap3A_12] : memref<3x128x16384xi8, #tpu.memory_space<vmem>>, vector<1x128x16384xi8>
    %swap3A_14 = vector.shape_cast %swap3A_13 : vector<1x128x16384xi8> to vector<128x16384xi8>
    %swap3A_15 = vector.shape_cast %broadcast_in_dim3A_10 : vector<128x16384xi8> to vector<1x128x16384xi8>
    tpu.vector_store %arg7[%swap3A, %swap3A_11, %swap3A_12], %swap3A_15 {strides = array<i32>} : memref<3x128x16384xi8, #tpu.memory_space<vmem>>, vector<1x128x16384xi8>,
    %iota3A = tpu.iota {dimensions = array<i32: 0>} : vector<128x128xi32>
    %iota3A_16 = tpu.iota {dimensions = array<i32: 1>} : vector<128x128xi32>
    %eq3A_17 = arith.cmpi eq, %iota3A, %iota3A_16 : vector<128x128xi32>
    %slice3A = vector.extract_strided_slice %get3A_9 {offsets = [0, 0], sizes = [128, 1], strides = [1, 1]} : vector<128x8xf32> to vector<128x1xf32>
    %squeeze3A = vector.shape_cast %slice3A : vector<128x1xf32> to vector<128xf32>
    %broadcast_in_dim3A_18 = vector.shape_cast %squeeze3A : vector<128xf32> to vector<128x1xf32>
    %ne3A = arith.constant 0.000000e+00 : f32
    %ne3A_19 = vector.broadcast %ne3A : f32 to vector<128x1xf32>
    %ne3A_20 = arith.cmpf one, %broadcast_in_dim3A_18, %ne3A_19 : vector<128x1xf32>
    %and3A = vector.broadcast %ne3A_20 : vector<128x1xi1> to vector<128x128xi1>
    %and3A_21 = arith.andi %eq3A_17, %and3A : vector<128x128xi1>
    %convert_element_type3A_22 = arith.extui %and3A_21 : vector<128x128xi1> to vector<128x128xi8>
    %mul3A_23 = arith.constant 128 : i32
    %mul3A_24 = arith.muli %arg0, %mul3A_23 : i32
    %add3A = arith.constant 0 : i32
    %add3A_25 = arith.addi %add3A, %mul3A_24 : i32
    %swap3A_26 = arith.index_cast %rem3A_0 : i32 to index
    %swap3A_27 = arith.constant 0 : index
    %swap3A_28 = arith.index_cast %add3A_25 : i32 to index
    %swap3A_29 = vector.load %arg7[%swap3A_26, %swap3A_27, %swap3A_28] : memref<3x128x16384xi8, #tpu.memory_space<vmem>>, vector<1x128x128xi8>
    %swap3A_30 = vector.shape_cast %swap3A_29 : vector<1x128x128xi8> to vector<128x128xi8>
    %swap3A_31 = vector.shape_cast %convert_element_type3A_22 : vector<128x128xi8> to vector<1x128x128xi8>
    tpu.vector_store %arg7[%swap3A_26, %swap3A_27, %swap3A_28], %swap3A_31 {strides = array<i32>} : memref<3x128x16384xi8, #tpu.memory_space<vmem>>, vector<1x128x128xi8>,
    %slice3A_32 = vector.extract_strided_slice %get3A_9 {offsets = [0, 1], sizes = [128, 1], strides = [1, 1]} : vector<128x8xf32> to vector<128x1xf32>
    %squeeze3A_33 = vector.shape_cast %slice3A_32 : vector<128x1xf32> to vector<128xf32>
    %broadcast_in_dim3A_34 = vector.shape_cast %squeeze3A_33 : vector<128xf32> to vector<128x1xf32>
    %ne3A_35 = arith.constant 0.000000e+00 : f32
    %ne3A_36 = vector.broadcast %ne3A_35 : f32 to vector<128x1xf32>
    %ne3A_37 = arith.cmpf one, %broadcast_in_dim3A_34, %ne3A_36 : vector<128x1xf32>
    %and3A_38 = vector.broadcast %ne3A_37 : vector<128x1xi1> to vector<128x128xi1>
    %and3A_39 = arith.andi %eq3A_17, %and3A_38 : vector<128x128xi1>
    %convert_element_type3A_40 = arith.extui %and3A_39 : vector<128x128xi1> to vector<128x128xi8>
    %mul3A_41 = arith.constant 128 : i32
    %mul3A_42 = arith.muli %arg0, %mul3A_41 : i32
    %add3A_43 = arith.constant 2048 : i32
    %add3A_44 = arith.addi %add3A_43, %mul3A_42 : i32
    %swap3A_45 = arith.index_cast %rem3A_0 : i32 to index
    %swap3A_46 = arith.constant 0 : index
    %swap3A_47 = arith.index_cast %add3A_44 : i32 to index
    %swap3A_48 = vector.load %arg7[%swap3A_45, %swap3A_46, %swap3A_47] : memref<3x128x16384xi8, #tpu.memory_space<vmem>>, vector<1x128x128xi8>
    %swap3A_49 = vector.shape_cast %swap3A_48 : vector<1x128x128xi8> to vector<128x128xi8>
    %swap3A_50 = vector.shape_cast %convert_element_type3A_40 : vector<128x128xi8> to vector<1x128x128xi8>
    tpu.vector_store %arg7[%swap3A_45, %swap3A_46, %swap3A_47], %swap3A_50 {strides = array<i32>} : memref<3x128x16384xi8, #tpu.memory_space<vmem>>, vector<1x128x128xi8>,
    %slice3A_51 = vector.extract_strided_slice %get3A_9 {offsets = [0, 2], sizes = [128, 1], strides = [1, 1]} : vector<128x8xf32> to vector<128x1xf32>
    %squeeze3A_52 = vector.shape_cast %slice3A_51 : vector<128x1xf32> to vector<128xf32>
    %broadcast_in_dim3A_53 = vector.shape_cast %squeeze3A_52 : vector<128xf32> to vector<128x1xf32>
    %ne3A_54 = arith.constant 0.000000e+00 : f32
    %ne3A_55 = vector.broadcast %ne3A_54 : f32 to vector<128x1xf32>
    %ne3A_56 = arith.cmpf one, %broadcast_in_dim3A_53, %ne3A_55 : vector<128x1xf32>
    %and3A_57 = vector.broadcast %ne3A_56 : vector<128x1xi1> to vector<128x128xi1>
    %and3A_58 = arith.andi %eq3A_17, %and3A_57 : vector<128x128xi1>
    %convert_element_type3A_59 = arith.extui %and3A_58 : vector<128x128xi1> to vector<128x128xi8>
    %mul3A_60 = arith.constant 128 : i32
    %mul3A_61 = arith.muli %arg0, %mul3A_60 : i32
    %add3A_62 = arith.constant 4096 : i32
    %add3A_63 = arith.addi %add3A_62, %mul3A_61 : i32
    %swap3A_64 = arith.index_cast %rem3A_0 : i32 to index
    %swap3A_65 = arith.constant 0 : index
    %swap3A_66 = arith.index_cast %add3A_63 : i32 to index
    %swap3A_67 = vector.load %arg7[%swap3A_64, %swap3A_65, %swap3A_66] : memref<3x128x16384xi8, #tpu.memory_space<vmem>>, vector<1x128x128xi8>
    %swap3A_68 = vector.shape_cast %swap3A_67 : vector<1x128x128xi8> to vector<128x128xi8>
    %swap3A_69 = vector.shape_cast %convert_element_type3A_59 : vector<128x128xi8> to vector<1x128x128xi8>
    tpu.vector_store %arg7[%swap3A_64, %swap3A_65, %swap3A_66], %swap3A_69 {strides = array<i32>} : memref<3x128x16384xi8, #tpu.memory_space<vmem>>, vector<1x128x128xi8>,
    %slice3A_70 = vector.extract_strided_slice %get3A_9 {offsets = [0, 3], sizes = [128, 1], strides = [1, 1]} : vector<128x8xf32> to vector<128x1xf32>
    %squeeze3A_71 = vector.shape_cast %slice3A_70 : vector<128x1xf32> to vector<128xf32>
    %broadcast_in_dim3A_72 = vector.shape_cast %squeeze3A_71 : vector<128xf32> to vector<128x1xf32>
    %ne3A_73 = arith.constant 0.000000e+00 : f32
    %ne3A_74 = vector.broadcast %ne3A_73 : f32 to vector<128x1xf32>
    %ne3A_75 = arith.cmpf one, %broadcast_in_dim3A_72, %ne3A_74 : vector<128x1xf32>
    %and3A_76 = vector.broadcast %ne3A_75 : vector<128x1xi1> to vector<128x128xi1>
    %and3A_77 = arith.andi %eq3A_17, %and3A_76 : vector<128x128xi1>
    %convert_element_type3A_78 = arith.extui %and3A_77 : vector<128x128xi1> to vector<128x128xi8>
    %mul3A_79 = arith.constant 128 : i32
    %mul3A_80 = arith.muli %arg0, %mul3A_79 : i32
    %add3A_81 = arith.constant 6144 : i32
    %add3A_82 = arith.addi %add3A_81, %mul3A_80 : i32
    %swap3A_83 = arith.index_cast %rem3A_0 : i32 to index
    %swap3A_84 = arith.constant 0 : index
    %swap3A_85 = arith.index_cast %add3A_82 : i32 to index
    %swap3A_86 = vector.load %arg7[%swap3A_83, %swap3A_84, %swap3A_85] : memref<3x128x16384xi8, #tpu.memory_space<vmem>>, vector<1x128x128xi8>
    %swap3A_87 = vector.shape_cast %swap3A_86 : vector<1x128x128xi8> to vector<128x128xi8>
    %swap3A_88 = vector.shape_cast %convert_element_type3A_78 : vector<128x128xi8> to vector<1x128x128xi8>
    tpu.vector_store %arg7[%swap3A_83, %swap3A_84, %swap3A_85], %swap3A_88 {strides = array<i32>} : memref<3x128x16384xi8, #tpu.memory_space<vmem>>, vector<1x128x128xi8>,
    %slice3A_89 = vector.extract_strided_slice %get3A_9 {offsets = [0, 4], sizes = [128, 1], strides = [1, 1]} : vector<128x8xf32> to vector<128x1xf32>
    %squeeze3A_90 = vector.shape_cast %slice3A_89 : vector<128x1xf32> to vector<128xf32>
    %broadcast_in_dim3A_91 = vector.shape_cast %squeeze3A_90 : vector<128xf32> to vector<128x1xf32>
    %ne3A_92 = arith.constant 0.000000e+00 : f32
    %ne3A_93 = vector.broadcast %ne3A_92 : f32 to vector<128x1xf32>
    %ne3A_94 = arith.cmpf one, %broadcast_in_dim3A_91, %ne3A_93 : vector<128x1xf32>
    %and3A_95 = vector.broadcast %ne3A_94 : vector<128x1xi1> to vector<128x128xi1>
    %and3A_96 = arith.andi %eq3A_17, %and3A_95 : vector<128x128xi1>
    %convert_element_type3A_97 = arith.extui %and3A_96 : vector<128x128xi1> to vector<128x128xi8>
    %mul3A_98 = arith.constant 128 : i32
    %mul3A_99 = arith.muli %arg0, %mul3A_98 : i32
    %add3A_100 = arith.constant 8192 : i32
    %add3A_101 = arith.addi %add3A_100, %mul3A_99 : i32
    %swap3A_102 = arith.index_cast %rem3A_0 : i32 to index
    %swap3A_103 = arith.constant 0 : index
    %swap3A_104 = arith.index_cast %add3A_101 : i32 to index
    %swap3A_105 = vector.load %arg7[%swap3A_102, %swap3A_103, %swap3A_104] : memref<3x128x16384xi8, #tpu.memory_space<vmem>>, vector<1x128x128xi8>
    %swap3A_106 = vector.shape_cast %swap3A_105 : vector<1x128x128xi8> to vector<128x128xi8>
    %swap3A_107 = vector.shape_cast %convert_element_type3A_97 : vector<128x128xi8> to vector<1x128x128xi8>
    tpu.vector_store %arg7[%swap3A_102, %swap3A_103, %swap3A_104], %swap3A_107 {strides = array<i32>} : memref<3x128x16384xi8, #tpu.memory_space<vmem>>, vector<1x128x128xi8>,
    %slice3A_108 = vector.extract_strided_slice %get3A_9 {offsets = [0, 5], sizes = [128, 1], strides = [1, 1]} : vector<128x8xf32> to vector<128x1xf32>
    %squeeze3A_109 = vector.shape_cast %slice3A_108 : vector<128x1xf32> to vector<128xf32>
    %broadcast_in_dim3A_110 = vector.shape_cast %squeeze3A_109 : vector<128xf32> to vector<128x1xf32>
    %ne3A_111 = arith.constant 0.000000e+00 : f32
    %ne3A_112 = vector.broadcast %ne3A_111 : f32 to vector<128x1xf32>
    %ne3A_113 = arith.cmpf one, %broadcast_in_dim3A_110, %ne3A_112 : vector<128x1xf32>
    %and3A_114 = vector.broadcast %ne3A_113 : vector<128x1xi1> to vector<128x128xi1>
    %and3A_115 = arith.andi %eq3A_17, %and3A_114 : vector<128x128xi1>
    %convert_element_type3A_116 = arith.extui %and3A_115 : vector<128x128xi1> to vector<128x128xi8>
    %mul3A_117 = arith.constant 128 : i32
    %mul3A_118 = arith.muli %arg0, %mul3A_117 : i32
    %add3A_119 = arith.constant 10240 : i32
    %add3A_120 = arith.addi %add3A_119, %mul3A_118 : i32
    %swap3A_121 = arith.index_cast %rem3A_0 : i32 to index
    %swap3A_122 = arith.constant 0 : index
    %swap3A_123 = arith.index_cast %add3A_120 : i32 to index
    %swap3A_124 = vector.load %arg7[%swap3A_121, %swap3A_122, %swap3A_123] : memref<3x128x16384xi8, #tpu.memory_space<vmem>>, vector<1x128x128xi8>
    %swap3A_125 = vector.shape_cast %swap3A_124 : vector<1x128x128xi8> to vector<128x128xi8>
    %swap3A_126 = vector.shape_cast %convert_element_type3A_116 : vector<128x128xi8> to vector<1x128x128xi8>
    tpu.vector_store %arg7[%swap3A_121, %swap3A_122, %swap3A_123], %swap3A_126 {strides = array<i32>} : memref<3x128x16384xi8, #tpu.memory_space<vmem>>, vector<1x128x128xi8>,
    %slice3A_127 = vector.extract_strided_slice %get3A_9 {offsets = [0, 6], sizes = [128, 1], strides = [1, 1]} : vector<128x8xf32> to vector<128x1xf32>
    %squeeze3A_128 = vector.shape_cast %slice3A_127 : vector<128x1xf32> to vector<128xf32>
    %broadcast_in_dim3A_129 = vector.shape_cast %squeeze3A_128 : vector<128xf32> to vector<128x1xf32>
    %ne3A_130 = arith.constant 0.000000e+00 : f32
    %ne3A_131 = vector.broadcast %ne3A_130 : f32 to vector<128x1xf32>
    %ne3A_132 = arith.cmpf one, %broadcast_in_dim3A_129, %ne3A_131 : vector<128x1xf32>
    %and3A_133 = vector.broadcast %ne3A_132 : vector<128x1xi1> to vector<128x128xi1>
    %and3A_134 = arith.andi %eq3A_17, %and3A_133 : vector<128x128xi1>
    %convert_element_type3A_135 = arith.extui %and3A_134 : vector<128x128xi1> to vector<128x128xi8>
    %mul3A_136 = arith.constant 128 : i32
    %mul3A_137 = arith.muli %arg0, %mul3A_136 : i32
    %add3A_138 = arith.constant 12288 : i32
    %add3A_139 = arith.addi %add3A_138, %mul3A_137 : i32
    %swap3A_140 = arith.index_cast %rem3A_0 : i32 to index
    %swap3A_141 = arith.constant 0 : index
    %swap3A_142 = arith.index_cast %add3A_139 : i32 to index
    %swap3A_143 = vector.load %arg7[%swap3A_140, %swap3A_141, %swap3A_142] : memref<3x128x16384xi8, #tpu.memory_space<vmem>>, vector<1x128x128xi8>
    %swap3A_144 = vector.shape_cast %swap3A_143 : vector<1x128x128xi8> to vector<128x128xi8>
    %swap3A_145 = vector.shape_cast %convert_element_type3A_135 : vector<128x128xi8> to vector<1x128x128xi8>
    tpu.vector_store %arg7[%swap3A_140, %swap3A_141, %swap3A_142], %swap3A_145 {strides = array<i32>} : memref<3x128x16384xi8, #tpu.memory_space<vmem>>, vector<1x128x128xi8>,
    %slice3A_146 = vector.extract_strided_slice %get3A_9 {offsets = [0, 7], sizes = [128, 1], strides = [1, 1]} : vector<128x8xf32> to vector<128x1xf32>
    %squeeze3A_147 = vector.shape_cast %slice3A_146 : vector<128x1xf32> to vector<128xf32>
    %broadcast_in_dim3A_148 = vector.shape_cast %squeeze3A_147 : vector<128xf32> to vector<128x1xf32>
    %ne3A_149 = arith.constant 0.000000e+00 : f32
    %ne3A_150 = vector.broadcast %ne3A_149 : f32 to vector<128x1xf32>
    %ne3A_151 = arith.cmpf one, %broadcast_in_dim3A_148, %ne3A_150 : vector<128x1xf32>
    %and3A_152 = vector.broadcast %ne3A_151 : vector<128x1xi1> to vector<128x128xi1>
    %and3A_153 = arith.andi %eq3A_17, %and3A_152 : vector<128x128xi1>
    %convert_element_type3A_154 = arith.extui %and3A_153 : vector<128x128xi1> to vector<128x128xi8>
    %mul3A_155 = arith.constant 128 : i32
    %mul3A_156 = arith.muli %arg0, %mul3A_155 : i32
    %add3A_157 = arith.constant 14336 : i32
    %add3A_158 = arith.addi %add3A_157, %mul3A_156 : i32
    %swap3A_159 = arith.index_cast %rem3A_0 : i32 to index
    %swap3A_160 = arith.constant 0 : index
    %swap3A_161 = arith.index_cast %add3A_158 : i32 to index
    %swap3A_162 = vector.load %arg7[%swap3A_159, %swap3A_160, %swap3A_161] : memref<3x128x16384xi8, #tpu.memory_space<vmem>>, vector<1x128x128xi8>
    %swap3A_163 = vector.shape_cast %swap3A_162 : vector<1x128x128xi8> to vector<128x128xi8>
    %swap3A_164 = vector.shape_cast %convert_element_type3A_154 : vector<128x128xi8> to vector<1x128x128xi8>
    tpu.vector_store %arg7[%swap3A_159, %swap3A_160, %swap3A_161], %swap3A_164 {strides = array<i32>} : memref<3x128x16384xi8, #tpu.memory_space<vmem>>, vector<1x128x128xi8>,
    %mul3A_165 = arith.constant 128 : i32
    %mul3A_166 = arith.muli %arg0, %mul3A_165 : i32
    %add3A_167 = arith.constant 0 : i32
    %add3A_168 = arith.addi %mul3A_166, %add3A_167 : i32
    %mul3A_169 = arith.constant 128 : i32
    %mul3A_170 = arith.muli %arg0, %mul3A_169 : i32
    %add3A_171 = arith.constant 64 : i32
    %add3A_172 = arith.addi %mul3A_170, %add3A_171 : i32
    %dma_start3A = tpu.memref_slice %arg8[%rem3A_0] : memref<3x!tpu.dma_semaphore, #tpu.memory_space<semaphore_mem>> -> memref<1x!tpu.dma_semaphore, #tpu.memory_space<semaphore_mem>>
    %dma_start3A_173 = tpu.memref_squeeze %dma_start3A : memref<1x!tpu.dma_semaphore, #tpu.memory_space<semaphore_mem>> -> memref<!tpu.dma_semaphore, #tpu.memory_space<semaphore_mem>>
    %dma_start3A_174 = arith.constant 0 : i32
    %dma_start3A_175 = tpu.memref_slice %arg5[%add3A_168, %dma_start3A_174] : memref<2048x16384xi8, #tpu.memory_space<any>> -> memref<64x16384xi8, #tpu.memory_space<any>>
    %dma_start3A_176 = arith.constant 0 : i32
    %dma_start3A_177 = arith.constant 0 : i32
    %dma_start3A_178 = tpu.memref_slice %arg7[%rem3A_0, %dma_start3A_176, %dma_start3A_177] : memref<3x128x16384xi8, #tpu.memory_space<vmem>> -> memref<1x64x16384xi8, #tpu.memory_space<vmem>>
    %dma_start3A_179 = tpu.memref_squeeze %dma_start3A_178 : memref<1x64x16384xi8, #tpu.memory_space<vmem>> -> memref<64x16384xi8, #tpu.memory_space<vmem>>
    tpu.enqueue_dma source(%dma_start3A_179 : memref<64x16384xi8, #tpu.memory_space<vmem>>) target(%dma_start3A_175 : memref<64x16384xi8, #tpu.memory_space<any>>) target_semaphore(%dma_start3A_173 : memref<!tpu.dma_semaphore, #tpu.memory_space<semaphore_mem>>)
    %dma_start3A_180 = tpu.memref_slice %arg8[%rem3A_0] : memref<3x!tpu.dma_semaphore, #tpu.memory_space<semaphore_mem>> -> memref<1x!tpu.dma_semaphore, #tpu.memory_space<semaphore_mem>>
    %dma_start3A_181 = tpu.memref_squeeze %dma_start3A_180 : memref<1x!tpu.dma_semaphore, #tpu.memory_space<semaphore_mem>> -> memref<!tpu.dma_semaphore, #tpu.memory_space<semaphore_mem>>
    %dma_start3A_182 = arith.constant 0 : i32
    %dma_start3A_183 = tpu.memref_slice %arg5[%add3A_172, %dma_start3A_182] : memref<2048x16384xi8, #tpu.memory_space<any>> -> memref<64x16384xi8, #tpu.memory_space<any>>
    %dma_start3A_184 = arith.constant 64 : i32
    %dma_start3A_185 = arith.constant 0 : i32
    %dma_start3A_186 = tpu.memref_slice %arg7[%rem3A_0, %dma_start3A_184, %dma_start3A_185] : memref<3x128x16384xi8, #tpu.memory_space<vmem>> -> memref<1x64x16384xi8, #tpu.memory_space<vmem>>
    %dma_start3A_187 = tpu.memref_squeeze %dma_start3A_186 : memref<1x64x16384xi8, #tpu.memory_space<vmem>> -> memref<64x16384xi8, #tpu.memory_space<vmem>>
    tpu.enqueue_dma source(%dma_start3A_187 : memref<64x16384xi8, #tpu.memory_space<vmem>>) target(%dma_start3A_183 : memref<64x16384xi8, #tpu.memory_space<any>>) target_semaphore(%dma_start3A_181 : memref<!tpu.dma_semaphore, #tpu.memory_space<semaphore_mem>>)
    %eq3A_188 = arith.constant 15 : i32
    %eq3A_189 = arith.cmpi eq, %arg0, %eq3A_188 : i32
    %convert_element_type3A_190 = arith.extui %eq3A_189 : i1 to i32
    %cond3A_191 = arith.constant 0 : i32
    %cond3A_192 = arith.cmpi ne, %convert_element_type3A_190, %cond3A_191 : i32
    scf.if %cond3A_192 {
      %dma_wait3A = arith.constant 1 : i32
      %dma_wait3A_193 = arith.constant 1 : i32
      %dma_wait3A_194 = tpu.memref_slice %arg8[%dma_wait3A_193] : memref<3x!tpu.dma_semaphore, #tpu.memory_space<semaphore_mem>> -> memref<1x!tpu.dma_semaphore, #tpu.memory_space<semaphore_mem>>
      %dma_wait3A_195 = tpu.memref_squeeze %dma_wait3A_194 : memref<1x!tpu.dma_semaphore, #tpu.memory_space<semaphore_mem>> -> memref<!tpu.dma_semaphore, #tpu.memory_space<semaphore_mem>>
      %dma_wait3A_196 = arith.constant 1664 : i32
      %dma_wait3A_197 = arith.constant 0 : i32
      %dma_wait3A_198 = tpu.memref_slice %arg5[%dma_wait3A_196, %dma_wait3A_197] : memref<2048x16384xi8, #tpu.memory_space<any>> -> memref<64x16384xi8, #tpu.memory_space<any>>
      %dma_wait3A_199 = arith.constant 0 : i32
      %dma_wait3A_200 = arith.constant 0 : i32
      %dma_wait3A_201 = tpu.memref_slice %arg7[%dma_wait3A, %dma_wait3A_199, %dma_wait3A_200] : memref<3x128x16384xi8, #tpu.memory_space<vmem>> -> memref<1x64x16384xi8, #tpu.memory_space<vmem>>
      %dma_wait3A_202 = tpu.memref_squeeze %dma_wait3A_201 : memref<1x64x16384xi8, #tpu.memory_space<vmem>> -> memref<64x16384xi8, #tpu.memory_space<vmem>>
      tpu.wait_dma2 semaphore(%dma_wait3A_195 : memref<!tpu.dma_semaphore, #tpu.memory_space<semaphore_mem>>) src(%dma_wait3A_202 : memref<64x16384xi8, #tpu.memory_space<vmem>>) dst(%dma_wait3A_198 : memref<64x16384xi8, #tpu.memory_space<any>>)
      %dma_wait3A_203 = arith.constant 1 : i32
      %dma_wait3A_204 = arith.constant 1 : i32
      %dma_wait3A_205 = tpu.memref_slice %arg8[%dma_wait3A_204] : memref<3x!tpu.dma_semaphore, #tpu.memory_space<semaphore_mem>> -> memref<1x!tpu.dma_semaphore, #tpu.memory_space<semaphore_mem>>
      %dma_wait3A_206 = tpu.memref_squeeze %dma_wait3A_205 : memref<1x!tpu.dma_semaphore, #tpu.memory_space<semaphore_mem>> -> memref<!tpu.dma_semaphore, #tpu.memory_space<semaphore_mem>>
      %dma_wait3A_207 = arith.constant 1728 : i32
      %dma_wait3A_208 = arith.constant 0 : i32
      %dma_wait3A_209 = tpu.memref_slice %arg5[%dma_wait3A_207, %dma_wait3A_208] : memref<2048x16384xi8, #tpu.memory_space<any>> -> memref<64x16384xi8, #tpu.memory_space<any>>
      %dma_wait3A_210 = arith.constant 64 : i32
      %dma_wait3A_211 = arith.constant 0 : i32
      %dma_wait3A_212 = tpu.memref_slice %arg7[%dma_wait3A_203, %dma_wait3A_210, %dma_wait3A_211] : memref<3x128x16384xi8, #tpu.memory_space<vmem>> -> memref<1x64x16384xi8, #tpu.memory_space<vmem>>
      %dma_wait3A_213 = tpu.memref_squeeze %dma_wait3A_212 : memref<1x64x16384xi8, #tpu.memory_space<vmem>> -> memref<64x16384xi8, #tpu.memory_space<vmem>>
      tpu.wait_dma2 semaphore(%dma_wait3A_206 : memref<!tpu.dma_semaphore, #tpu.memory_space<semaphore_mem>>) src(%dma_wait3A_213 : memref<64x16384xi8, #tpu.memory_space<vmem>>) dst(%dma_wait3A_209 : memref<64x16384xi8, #tpu.memory_space<any>>)
      %dma_wait3A_214 = arith.constant 2 : i32
      %dma_wait3A_215 = arith.constant 2 : i32
      %dma_wait3A_216 = tpu.memref_slice %arg8[%dma_wait3A_215] : memref<3x!tpu.dma_semaphore, #tpu.memory_space<semaphore_mem>> -> memref<1x!tpu.dma_semaphore, #tpu.memory_space<semaphore_mem>>
      %dma_wait3A_217 = tpu.memref_squeeze %dma_wait3A_216 : memref<1x!tpu.dma_semaphore, #tpu.memory_space<semaphore_mem>> -> memref<!tpu.dma_semaphore, #tpu.memory_space<semaphore_mem>>
      %dma_wait3A_218 = arith.constant 1792 : i32
      %dma_wait3A_219 = arith.constant 0 : i32
      %dma_wait3A_220 = tpu.memref_slice %arg5[%dma_wait3A_218, %dma_wait3A_219] : memref<2048x16384xi8, #tpu.memory_space<any>> -> memref<64x16384xi8, #tpu.memory_space<any>>
      %dma_wait3A_221 = arith.constant 0 : i32
      %dma_wait3A_222 = arith.constant 0 : i32
      %dma_wait3A_223 = tpu.memref_slice %arg7[%dma_wait3A_214, %dma_wait3A_221, %dma_wait3A_222] : memref<3x128x16384xi8, #tpu.memory_space<vmem>> -> memref<1x64x16384xi8, #tpu.memory_space<vmem>>
      %dma_wait3A_224 = tpu.memref_squeeze %dma_wait3A_223 : memref<1x64x16384xi8, #tpu.memory_space<vmem>> -> memref<64x16384xi8, #tpu.memory_space<vmem>>
      tpu.wait_dma2 semaphore(%dma_wait3A_217 : memref<!tpu.dma_semaphore, #tpu.memory_space<semaphore_mem>>) src(%dma_wait3A_224 : memref<64x16384xi8, #tpu.memory_space<vmem>>) dst(%dma_wait3A_220 : memref<64x16384xi8, #tpu.memory_space<any>>)
      %dma_wait3A_225 = arith.constant 2 : i32
      %dma_wait3A_226 = arith.constant 2 : i32
      %dma_wait3A_227 = tpu.memref_slice %arg8[%dma_wait3A_226] : memref<3x!tpu.dma_semaphore, #tpu.memory_space<semaphore_mem>> -> memref<1x!tpu.dma_semaphore, #tpu.memory_space<semaphore_mem>>
      %dma_wait3A_228 = tpu.memref_squeeze %dma_wait3A_227 : memref<1x!tpu.dma_semaphore, #tpu.memory_space<semaphore_mem>> -> memref<!tpu.dma_semaphore, #tpu.memory_space<semaphore_mem>>
      %dma_wait3A_229 = arith.constant 1856 : i32
      %dma_wait3A_230 = arith.constant 0 : i32
      %dma_wait3A_231 = tpu.memref_slice %arg5[%dma_wait3A_229, %dma_wait3A_230] : memref<2048x16384xi8, #tpu.memory_space<any>> -> memref<64x16384xi8, #tpu.memory_space<any>>
      %dma_wait3A_232 = arith.constant 64 : i32
      %dma_wait3A_233 = arith.constant 0 : i32
      %dma_wait3A_234 = tpu.memref_slice %arg7[%dma_wait3A_225, %dma_wait3A_232, %dma_wait3A_233] : memref<3x128x16384xi8, #tpu.memory_space<vmem>> -> memref<1x64x16384xi8, #tpu.memory_space<vmem>>
      %dma_wait3A_235 = tpu.memref_squeeze %dma_wait3A_234 : memref<1x64x16384xi8, #tpu.memory_space<vmem>> -> memref<64x16384xi8, #tpu.memory_space<vmem>>
      tpu.wait_dma2 semaphore(%dma_wait3A_228 : memref<!tpu.dma_semaphore, #tpu.memory_space<semaphore_mem>>) src(%dma_wait3A_235 : memref<64x16384xi8, #tpu.memory_space<vmem>>) dst(%dma_wait3A_231 : memref<64x16384xi8, #tpu.memory_space<any>>)
      %dma_wait3A_236 = arith.constant 0 : i32
      %dma_wait3A_237 = arith.constant 0 : i32
      %dma_wait3A_238 = tpu.memref_slice %arg8[%dma_wait3A_237] : memref<3x!tpu.dma_semaphore, #tpu.memory_space<semaphore_mem>> -> memref<1x!tpu.dma_semaphore, #tpu.memory_space<semaphore_mem>>
      %dma_wait3A_239 = tpu.memref_squeeze %dma_wait3A_238 : memref<1x!tpu.dma_semaphore, #tpu.memory_space<semaphore_mem>> -> memref<!tpu.dma_semaphore, #tpu.memory_space<semaphore_mem>>
      %dma_wait3A_240 = arith.constant 1920 : i32
      %dma_wait3A_241 = arith.constant 0 : i32
      %dma_wait3A_242 = tpu.memref_slice %arg5[%dma_wait3A_240, %dma_wait3A_241] : memref<2048x16384xi8, #tpu.memory_space<any>> -> memref<64x16384xi8, #tpu.memory_space<any>>
      %dma_wait3A_243 = arith.constant 0 : i32
      %dma_wait3A_244 = arith.constant 0 : i32
      %dma_wait3A_245 = tpu.memref_slice %arg7[%dma_wait3A_236, %dma_wait3A_243, %dma_wait3A_244] : memref<3x128x16384xi8, #tpu.memory_space<vmem>> -> memref<1x64x16384xi8, #tpu.memory_space<vmem>>
      %dma_wait3A_246 = tpu.memref_squeeze %dma_wait3A_245 : memref<1x64x16384xi8, #tpu.memory_space<vmem>> -> memref<64x16384xi8, #tpu.memory_space<vmem>>
      tpu.wait_dma2 semaphore(%dma_wait3A_239 : memref<!tpu.dma_semaphore, #tpu.memory_space<semaphore_mem>>) src(%dma_wait3A_246 : memref<64x16384xi8, #tpu.memory_space<vmem>>) dst(%dma_wait3A_242 : memref<64x16384xi8, #tpu.memory_space<any>>)
      %dma_wait3A_247 = arith.constant 0 : i32
      %dma_wait3A_248 = arith.constant 0 : i32
      %dma_wait3A_249 = tpu.memref_slice %arg8[%dma_wait3A_248] : memref<3x!tpu.dma_semaphore, #tpu.memory_space<semaphore_mem>> -> memref<1x!tpu.dma_semaphore, #tpu.memory_space<semaphore_mem>>
      %dma_wait3A_250 = tpu.memref_squeeze %dma_wait3A_249 : memref<1x!tpu.dma_semaphore, #tpu.memory_space<semaphore_mem>> -> memref<!tpu.dma_semaphore, #tpu.memory_space<semaphore_mem>>
      %dma_wait3A_251 = arith.constant 1984 : i32
      %dma_wait3A_252 = arith.constant 0 : i32
      %dma_wait3A_253 = tpu.memref_slice %arg5[%dma_wait3A_251, %dma_wait3A_252] : memref<2048x16384xi8, #tpu.memory_space<any>> -> memref<64x16384xi8, #tpu.memory_space<any>>
      %dma_wait3A_254 = arith.constant 64 : i32
      %dma_wait3A_255 = arith.constant 0 : i32
      %dma_wait3A_256 = tpu.memref_slice %arg7[%dma_wait3A_247, %dma_wait3A_254, %dma_wait3A_255] : memref<3x128x16384xi8, #tpu.memory_space<vmem>> -> memref<1x64x16384xi8, #tpu.memory_space<vmem>>
      %dma_wait3A_257 = tpu.memref_squeeze %dma_wait3A_256 : memref<1x64x16384xi8, #tpu.memory_space<vmem>> -> memref<64x16384xi8, #tpu.memory_space<vmem>>
      tpu.wait_dma2 semaphore(%dma_wait3A_250 : memref<!tpu.dma_semaphore, #tpu.memory_space<semaphore_mem>>) src(%dma_wait3A_257 : memref<64x16384xi8, #tpu.memory_space<vmem>>) dst(%dma_wait3A_253 : memref<64x16384xi8, #tpu.memory_space<any>>)
    } else {
    }
    return
  }
  func.func @transform_0(%arg0: i32) -> (i32, i32) {
    %c0_i32 = arith.constant 0 : i32
    %c0_i32_0 = arith.constant 0 : i32
    %c0_i32_1 = arith.constant 0 : i32
    return %c0_i32, %c0_i32_0 : i32, i32
  }
  func.func @transform_1(%arg0: i32) -> (i32, i32) {
    %c0_i32 = arith.constant 0 : i32
    %c0_i32_0 = arith.constant 0 : i32
    %c0_i32_1 = arith.constant 0 : i32
    return %c0_i32, %c0_i32_0 : i32, i32
  }
  func.func @transform_2(%arg0: i32) -> (i32, i32) {
    %c0_i32 = arith.constant 0 : i32
    %c0_i32_0 = arith.constant 0 : i32
    %c0_i32_1 = arith.constant 0 : i32
    return %c0_i32, %c0_i32_0 : i32, i32
  }
  func.func @transform_3(%arg0: i32) -> (i32, i32) {
    %c0_i32 = arith.constant 0 : i32
    %c0_i32_0 = arith.constant 0 : i32
    %c0_i32_1 = arith.constant 0 : i32
    return %c0_i32, %c0_i32_0 : i32, i32
  }
}

</mosaic_0001>

<sc_bundles>
// kernel: sparse-core-data-format-call.cloned.1.call-start
scs
called_computation_lowered:
.L_overlay_start_0:
0x0: {  	s2 =	sld [smem:$0x3FD9]  }
0x1: {  	s3 =	sld [smem:$0x3FFE];
	_ =	sdelay $0x1  }
0x2: {  	s1 =	srdreg.scid  }
0x3: {  	s0 =	sand.u32 $0x1, s1  }
0x4: {  	s15 =	sshll.u32 s0, $0xA;
	s2 =	sadd.s32 s3, s2  }
0x5: {  	s2 =	sadd.s32 s2, s15  }
0x6: {  	[smem:$0x3FC6] =	sst s2  }
0x7: {  	_ = 	snop  }
0x8: {  	s2 =	sld [smem:$0x3FD0];
	_ =	sdelay $0x2  }
0x9: {  	s16 =	simm.s32 $0xA;
	s4 =	simm.s32 $0x10  }
0xa: {  	[smem:s4], [sflag:s16] =	dma.local [hbm:s2], $0x1  }
0xb: {  	_ =	swait.eq [sflag:s16], $0x1  }
0xc: {  	[sflag:s16] =	ssyncset.done $0x0  }
0xd: {  	[sflag:s16] =	ssyncadd.s32 $0xFFFFFFFF  }
0xe: {  	s17 =	sld [smem:$0x12];
	(tm) =	ssettm $0x1  }
0xf: {  	s18 =	sld [smem:$0x3FFB];
	_ =	sdelay $0x3  }
0x10: {  	_ =	strace s18  }
0x11: {  	s3 =	sld [smem:$0x3FFC];
	_ =	sdelay $0x3  }
0x12: {  	_ =	strace s3  }
0x13: {  	s3 =	sld [smem:$0x3FFD];
	_ =	sdelay $0x3  }
0x14: {  	_ =	strace s3  }
0x15: {  	_ =	strace $0x8FFFFFFF  }
0x16: {  	s19 =	sld [smem:$0x3FDB];
	_ =	sdelay $0x1  }
0x17: {  	s20 =	simm.s32 $_scs_section_size  }
0x18: {  	s5 =	simm.s32 $_size__tile_overlayer_lowered;
	s6 =	simm.s32 $_tile_overlayer_lowered  }
0x19: {  	s23 =	simm.s32 $0x1BFF;
	s22 =	sshll.u32 s6, $0x1;
	s3 =	sadd.s32 s20, s19  }
0x1a: {  	s7 =	simm.s32 $0x0;
	s21 =	sshll.u32 s5, $0x1;
	s5 =	sadd.s32 s22, s3  }
0x1b: {  	[timem:s7], [sflag:s23] =	dma.local [hbm:s5], s21  }
0x1c: {  	_ =	swait.ge [sflag:s23], s21  }
0x1d: {  	s4 =	ssub.s32 $0x0, s21;
	[sflag:s23] =	ssyncset.done $0x0  }
0x1e: {  	[sflag:s23] =	ssyncadd.s32 s4;
	_ =	sdelay $0x1  }
0x1f: {  	s24 =	simm.s32 $0x1B8B  }
0x20: {  	_ =	swait.ge [sflag:s24], $0x1  }
0x21: {  	[sflag:s24] =	ssyncset.done $0x0  }
0x22: {  	s26 =	simm.s32 $0x1B8E;
	s25 =	sld [smem:$0x3FFE];
	[sflag:s24] =	ssyncadd.s32 $0xFFFFFFFF  }
0x23: {  	s27 =	simm.s32 $execute0_lowered;
	[smem:$0x3FD2] =	sst s26  }
0x24: {  	s5 =	sshll.u32 s27, $0x1;
	_ =	strace $0x80000046;
	[dreg:$0x1] =	wrdreg $0xFFFFFFFF  }
0x25: {  	s28 =	simm.s32 $_size_execute0_lowered;
	s3 =	sadd.s32 s3, s5;
	[dreg:$0x0] =	wrdreg $0x0  }
0x26: {  	s5 =	sshll.u32 s28, $0x1;
	[dreg:$0x2] =	wrdreg s3  }
0x27: {  	[dreg:$0x3] =	wrdreg s5  }
0x28: {  	[dreg:$0x4] =	wrdreg $0xC0  }
0x29: {  	_ =	task [dreg:s7], $0x5FFFF  }
0x2a: {  	[dreg:$0x1] =	wrdreg $0xFFFFFFFF  }
0x2b: {  	[dreg:$0x0] =	wrdreg $0x60  }
0x2c: {  	[dreg:$0x2] =	wrdreg s25  }
0x2d: {  	[dreg:$0x3] =	wrdreg s17  }
0x2e: {  	[dreg:$0x4] =	wrdreg $0x9  }
0x2f: {  	_ =	task.clear_ibuf [dreg:s7], $0x5FFFF;
	_ =	strace $0x90000046  }
0x30: {  	s29 =	simm.s32 $0x9;
	_ =	strace $0x80000048  }
0x31: {  	_ =	swait.ge [sflag:s29], $0x1  }
0x32: {  	[sflag:s29] =	ssyncadd.s32 $0xFFFFFFFF  }
0x33: {  	_ =	strace $0x90000048  }
0x34: {  	_ =	sfence  }
0x35: {  	s30 =	sld [smem:$0x0];
	_ =	sdelay $0x2  }
0x36: {  	s31 =	sshll.u32 s1, $0xD;
	s1 =	sshrl.u32 s1, $0x2  }
0x37: {  	s3 =	sand.u32 $0x4000, s31;
	s1 =	sadd.s32 s1, s30  }
0x38: {  	s0 =	sor.u32 s3, s0;
	s1 =	sshll.u32 s1, $0x11  }
0x39: {  	s0 =	sor.u32 s1, s0  }
0x3a: {  	s0 =	sadd.s32 $0x8F2B, s0  }
0x3b: {  	[sflag:s0] =	ssyncadd.remote.s32 $0x1  }
0x3c: {  	_ =	sfence.sel $0xFFFF  }
0x3d: {  	[dreg:$0x0] =	wrdreg $0xFFFFFFFF;
	(pc) =	sbr.abs _section_cstart, $3  }
0x3e: {  	[dreg:$0x1] =	wrdreg $0xFFFFFFFF  }
0x3f: {  	_ =	task.clear_ibuf [dreg:s7], $0x2FFFF;
	_ =	strace $0x9FFFFFFF  }
0x40: {  	(tm) =	ssettm $0x7FFFFFFF  }
0x41: {  	_ =	shalt  }
tec
execute0_lowered:
.L_overlay_start_1:
0x0: {  	(tag) =	ssettag $0x1  }
0x1: {  	s0 =	rddreg [dreg:$0x0];
	_ =	strace $0x80000047;
	s1 =	srdreg.scid  }
0x2: {  	s3 =	stileid.u32;
	s2 =	simm.s32 $0x1;
	s31 =	simm.s32 $0x2  }
0x3: {  	s12 =	simm.s32 $0x0;
	s13 =	simm.s32 $0x0;
	s15 =	simm.s32 $0x0  }
.Ltmp0:
0x4: {  	s14 =	simm.s32 $0x0;
	s8 =	simm.s32 $0x0;
	(pc) =	sbr.rel .LBB1_1-.Ltmp0, $4  }
0x5: {  	s9 =	simm.s32 $0x0;
	s10 =	simm.s32 $0x0;
	s1 =	sshll.u32 s1, $0x4  }
0x6: {  	s7 =	simm.s32 $0x0;
	s5 =	sadd.s32 $0xA00, s0;
	s1 =	sand.u32 $0x10, s1  }
0x7: {  	[sflag:s2] =	ssyncpa.u1 $0x0;
	[dreg:$0x11] =	wrdreg s5;
	s6 =	sor.u32 s3, s1  }
0x8: {  	[sflag:s31] =	ssyncpa.u1 $0x0;
	s11 =	smov.u32 s6;
	[dreg:$0x12] =	wrdreg s6  }
.LBB1_9:
0x9: {  	s0 =	sadd.s32 $0x200, s8  }
0xa: {  	s1 =	sadd.s32 $0x8, s9;
	s2 =	smov.u32 s9;
	p1 =	sgt.s32 s0, $0x7FF  }
0xb: {  	s2 =	smov.u32 @p1 s1  }
0xc: {  	s3 =	smov.u32 s10;
	s1 =	sadd.s32 $0x8, s10;
	p2 =	sgt.s32 s2, $0x7  }
0xd: {  	s3 =	smov.u32 @p2 s1  }
0xe: {  	s4 =	smov.u32 s11;
	s1 =	sadd.s32 $0x20, s11;
	p3 =	sgt.s32 s3, $0x7  }
0xf: {  	p0 =	slt.u32 s7, $0x2;
	s4 =	smov.u32 @p3 s1  }
0x10: {  	s7 =	sadd.s32 $0x1, s7;
	s0 =	simm.s32 @p1 $0x0;
	p1 =	sgt.s32 s4, $0xFF  }
0x11: {  	s4 =	smov.u32 @p1 s6;
	p1 =	sne.s32 s7, $0x22  }
.Ltmp1:
0x12: {  	s12 =	smov.u32 s8;
	s13 =	smov.u32 s9;
	(pc) =	sbr.rel @!p1 .LBB1_10-.Ltmp1, $4  }
0x13: {  	s15 =	smov.u32 s10;
	s14 =	smov.u32 s11;
	s1 =	simm.s32 @!p0 $0x2  }
0x14: {  	s8 =	smov.u32 s0;
	s2 =	simm.s32 @p2 $0x0;
	_ =	swait.ge @!p0 [sflag:s1], $0x2000  }
0x15: {  	s9 =	smov.u32 s2;
	s3 =	simm.s32 @p3 $0x0;
	[sflag:s1] =	ssyncset.done @!p0 $0x0  }
0x16: {  	s10 =	smov.u32 s3;
	[sflag:s1] =	ssyncadd.s32 @!p0 $0xFFFFE000;
	s11 =	smov.u32 s4  }
.LBB1_1:
0x17: {  	p0 =	sgt.u32 s7, $0x1F  }
0x18: {  	s0 =	sshll.u32 @!p0 s8, $0x3;
	s1 =	sshll.u32 @!p0 s9, $0x7;
	s2 =	sshll.u32 @!p0 s8, $0x2  }
0x19: {  	s3 =	sshrl.u32 @!p0 s8, $0x2;
	s1 =	sand.u32 @!p0 $0x200, s1;
	s0 =	sand.u32 @!p0 $0x400, s0  }
0x1a: {  	s2 =	sand.u32 @!p0 $0x1E0, s2;
	s0 =	sor.u32 @!p0 s1, s0;
	s1 =	sshll.u32 @!p0 s11, $0xC  }
0x1b: {  	s0 =	sor.u32 @!p0 s2, s0;
	s2 =	sshll.u32 @!p0 s10, $0x9;
	s1 =	sadd.s32 @!p0 s5, s1  }
0x1c: {  	s4 =	sxor.u32 @!p0 $0xFFFFFFFF, s7;
	s3 =	sand.u32 @!p0 $0x1C0, s3;
	s1 =	sadd.s32 @!p0 s2, s1  }
0x1d: {  	s0 =	sshrl.u32 @!p0 s0, $0x5;
	s2 =	sand.u32 @!p0 $0x7, s8;
	s1 =	sadd.s32 @!p0 s3, s1  }
0x1e: {  	s2 =	sshll.u32 @!p0 s2, $0x12;
	s0 =	sadd.s32 @!p0 s0, s1;
	s1 =	sshll.u32 @!p0 s4, $0xD  }
0x1f: {  	s3 =	simm.s32 @!p0 $0x1000;
	s2 =	sor.u32 @!p0 $0x400, s2;
	s1 =	sand.u32 @!p0 $0x2000, s1  }
0x20: {  	[tilespmem:s1], [sflag:$0x1] =	stream.strided.gather @!p0 [hbm4b:s0+s2], $0x2000, s3, s2, $0x38;
	[tilespmem:$0x8000] =	vst v63  }
0x21: {  	p0 =	seq.s32 s7, $0x0  }
0x22: {  	p1 =	seq.s32 @!p0 s7, $0x21  }
0x23: {  	p0 =	por p0, p1  }
.Ltmp2:
0x24: {  	_ = 	snop;
	(pc) =	sbr.rel @p0 .LBB1_9-.Ltmp2, $1  }
0x25: {  	_ =	sdelay $0x3  }
0x26: {  	[dreg:$0x1b] =	wrdreg s15  }
0x27: {  	[dreg:$0x1a] =	wrdreg s14  }
0x28: {  	[dreg:$0x19] =	wrdreg s13  }
0x29: {  	[dreg:$0x18] =	wrdreg s12  }
0x2a: {  	[dreg:$0x17] =	wrdreg s11  }
0x2b: {  	[dreg:$0x16] =	wrdreg s10  }
0x2c: {  	[dreg:$0x15] =	wrdreg s9  }
0x2d: {  	[dreg:$0x14] =	wrdreg s8;
	s1 =	simm.s32 $0x1;
	s0 =	sshll.u32 s7, $0xD  }
0x2e: {  	p1 =	por $0x1, $0x1;
	_ =	swait.ge [sflag:s1], $0x2000;
	s25 =	sand.u32 $0x2000, s0  }
0x2f: {  	[dreg:$0x13] =	wrdreg s7;
	[sflag:s1] =	ssyncset.done $0x0;
	s0 =	sor.u32 $0x4000, s25  }
0x30: {  	[sflag:s1] =	ssyncadd.s32 $0xFFFFE000;
	[dreg:$0x1c] =	wrdreg s0;
	s0 =	simm.s32 $0x0  }
.LBB1_3:
0x31: {  	s1 =	sshll.u32 s0, $0xA;
	s31 =	sshll.u32 s0, $0x7  }
0x32: {  	s7 =	sadd.s32 s1, s25;
	[dreg:$0x6] =	wrdreg s31  }
0x33: {  	p0 =	por p1, p1;
	s2 =	sadd.s32 $0x400, s7;
	[dreg:$0xb] =	wrdreg s7  }
0x34: {  	s1 =	sor.u32 $0xC00, s1;
	s30 =	sadd.s32 $0x800, s7;
	[dreg:$0x4] =	wrdreg s2  }
0x35: {  	p2 =	por $0x1, $0x1;
	s0 =	simm.s32 $0x0;
	v0 =	vmov s1;
	[dreg:$0x5] =	wrdreg s30  }
.LBB1_4:
0x36: {  	s1 =	sshll.u32 s0, $0xA;
	s9 =	sshll.u32 s0, $0x7;
	s10 =	rddreg [dreg:$0x1c]  }
0x37: {  	s20 =	simm.s32 $0x0;
	s13 =	rddreg [dreg:$0x4];
	s1 =	sand.u32 $0x3FFFFC00, s1  }
0x38: {  	[dreg:$0x3] =	wrdreg s9;
	s2 =	sand.u32 $0xC00, s20;
	s3 =	sand.u32 $0x100, s20  }
0x39: {  	s8 =	sadd.s32 s1, s10;
	s11 =	rddreg [dreg:$0x3];
	s5 =	sor.u32 $0xC0, s3  }
0x3a: {  	s0 =	sadd.s32 $0x400, s8;
	s12 =	sadd.s32 $0x800, s8;
	s1 =	sor.u32 s11, s2  }
0x3b: {  	s4 =	sadd.s32 $0xC00, s8;
	[dreg:$0x7] =	wrdreg s0;
	s1 =	sshrl.u32 s1, $0x2  }
0x3c: {  	s21 =	sshrl.u32 s5, $0x2;
	[dreg:$0x8] =	wrdreg s12;
	s6 =	sadd.s32 s1, s7  }
0x3d: {  	[dreg:$0x9] =	wrdreg s4;
	s14 =	sadd.s32 s1, s13;
	s15 =	sadd.s32 s21, s6  }
0x3e: {  	s9 =	rddreg [dreg:$0x5];
	s10 =	sadd.s32 s1, s25;
	s16 =	sadd.s32 s21, s14;
	v7 =	vld [tilespmem:s15+$0x0]  }
0x3f: {  	s9 =	sadd.s32 s1, s9;
	s17 =	sadd.s32 s21, s10;
	v5 =	vld [tilespmem:s16+$0x0]  }
0x40: {  	s1 =	sshrl.u32 s3, $0x2;
	s11 =	sadd.s32 s21, s9;
	v21 =	vld.idx.msk [tilespmem:v0+s17+$0x0 ss:$0x1], $0xffff  }
0x41: {  	s12 =	sadd.s32 s1, s10;
	v6 =	vld [tilespmem:s11+$0x0]  }
0x42: {  	s22 =	sadd.s32 s1, s6;
	v8 =	vld.idx.msk [tilespmem:v0+s12+$0x0 ss:$0x1], $0xffff  }
0x43: {  	s18 =	sor.u32 $0x40, s3;
	s23 =	sadd.s32 s1, s14;
	v24 =	vld [tilespmem:s22+$0x0]  }
0x44: {  	s0 =	sshrl.u32 s18, $0x2;
	s24 =	sadd.s32 s1, s9;
	v28 =	vld [tilespmem:s23+$0x0]  }
0x45: {  	s3 =	sor.u32 $0x80, s3;
	s26 =	sadd.s32 s0, s6;
	v29 =	vld [tilespmem:s24+$0x0]  }
0x46: {  	s5 =	sshrl.u32 s3, $0x2;
	v32 =	vld [tilespmem:s26+$0x0];
	v1 =	vshrl.u32 v7, $0x18;
	v3 =	vshrl.u32 v7, $0x8;
	v2 =	vand.u32 $0xFF, v7  }
0x47: {  	s19 =	sadd.s32 s0, s10;
	s10 =	sadd.s32 s5, s10;
	v9 =	vshrl.u32 v5, $0x8;
	v7 =	vshrl.u32 v7, $0x10;
	v10 =	vshrl.u32 v5, $0x10  }
0x48: {  	s11 =	sadd.s32 s0, s14;
	v15 =	vld.idx.msk [tilespmem:v0+s10+$0x0 ss:$0x1], $0xffff;
	v12 =	vshrl.u32 v6, $0x10;
	v13 =	vshrl.u32 v21, $0x10;
	v14 =	vshrl.u32 v8, $0x10  }
0x49: {  	s12 =	sadd.s32 s0, s9;
	v34 =	vld [tilespmem:s11+$0x0];
	v17 =	vshrl.u32 v24, $0x10;
	v18 =	vshrl.u32 v24, $0x8;
	v19 =	vshrl.u32 v21, $0x8  }
0x4a: {  	s13 =	sadd.s32 s5, s6;
	v35 =	vld [tilespmem:s12+$0x0];
	v20 =	vshrl.u32 v28, $0x10;
	v22 =	vshrl.u32 v28, $0x8;
	v23 =	vshrl.u32 v29, $0x10  }
0x4b: {  	s4 =	sadd.s32 s5, s14;
	v37 =	vld [tilespmem:s13+$0x0];
	v25 =	vshrl.u32 v29, $0x8;
	v26 =	vshrl.u32 v32, $0x10;
	v27 =	vshrl.u32 v32, $0x8  }
0x4c: {  	s14 =	sadd.s32 s5, s9;
	v41 =	vld [tilespmem:s4+$0x0];
	v33 =	vshrl.u32 v6, $0x8;
	v58 =	vand.u32 $0xFF, v8;
	v63 =	vand.u32 $0xFF, v28  }
0x4d: {  	v45 =	vld [tilespmem:s14+$0x0];
	v4 =	vand.u32 $0xFF, v3;
	v3 =	vshrl.u32 v5, $0x18;
	v9 =	vand.u32 $0xFF, v9  }
0x4e: {  	v7 =	vand.u32 $0xFF, v7;
	v10 =	vand.u32 $0xFF, v10;
	v12 =	vand.u32 $0xFF, v12  }
0x4f: {  	v13 =	vand.u32 $0xFF, v13;
	v16 =	vshrl.u32 v15, $0x8;
	v30 =	vshrl.u32 v34, $0x10  }
0x50: {  	v31 =	vshrl.u32 v34, $0x8;
	v46 =	vand.u32 $0xFF, v14;
	v36 =	vshrl.u32 v35, $0x10  }
0x51: {  	v38 =	vshrl.u32 v35, $0x8;
	v39 =	vshrl.u32 v37, $0x10;
	v40 =	vshrl.u32 v37, $0x8  }
0x52: {  	v11 =	vld.idx.msk [tilespmem:v0+s19+$0x0 ss:$0x1], $0xffff;
	v43 =	vshrl.u32 v41, $0x10;
	v44 =	vshrl.u32 v41, $0x8;
	v48 =	vshrl.u32 v45, $0x8  }
0x53: {  	v54 =	vand.u32 $0xFF, v19;
	v55 =	vand.u32 $0xFF, v18;
	v50 =	vand.u32 $0xFF, v20  }
0x54: {  	v56 =	vand.u32 $0xFF, v22;
	v57 =	vand.u32 $0xFF, v25;
	v14 =	vand.u32 $0xFF, v26  }
0x55: {  	v19 =	vand.u32 $0xFF, v27;
	v25 =	vand.u32 $0xFF, v33;
	v27 =	vand.u32 $0xFF, v24  }
0x56: {  	v33 =	vand.u32 $0xFF, v29;
	v7 =	vpack.i.b32.b16 v12, v7;
	v10 =	vpack.i.b32.b16 v13, v10  }
0x57: {  	v12 =	vshrl.u32 v8, $0x8;
	v13 =	vshrl.u32 v11, $0x10;
	v53 =	vand.u32 $0xFF, v16  }
0x58: {  	v16 =	vand.u32 $0xFF, v23;
	v59 =	vand.u32 $0xFF, v30;
	v60 =	vand.u32 $0xFF, v31  }
0x59: {  	v22 =	vand.u32 $0xFF, v36;
	v26 =	vand.u32 $0xFF, v38;
	v18 =	vand.u32 $0xFF, v39  }
0x5a: {  	v20 =	vand.u32 $0xFF, v40;
	v61 =	vand.u32 $0xFF, v43;
	v62 =	vand.u32 $0xFF, v44  }
0x5b: {  	v30 =	vand.u32 $0xFF, v48;
	v38 =	vshrl.u32 v28, $0x18;
	v31 =	vshrl.u32 v29, $0x18  }
0x5c: {  	v29 =	vand.u32 $0xFF, v32;
	v40 =	vshrl.u32 v34, $0x18;
	v43 =	vand.u32 $0xFF, v34  }
0x5d: {  	v36 =	vand.u32 $0xFF, v35;
	v28 =	vshrl.u32 v37, $0x18;
	v34 =	vand.u32 $0xFF, v37  }
0x5e: {  	v39 =	vshrl.u32 v41, $0x18;
	v44 =	vand.u32 $0xFF, v41;
	v37 =	vand.u32 $0xFF, v45  }
0x5f: {  	s18 =	rddreg [dreg:$0x9];
	v41 =	vand.u32 $0xFF, v5;
	v5 =	vshrl.u32 v6, $0x18;
	v6 =	vand.u32 $0xFF, v6  }
0x60: {  	s29 =	simm.s32 $0x0;
	s15 =	rddreg [dreg:$0x6];
	v50 =	vpack.i.b32.b16 v46, v50;
	v9 =	vpack.i.b32.b16 v54, v9;
	v42 =	vpack.i.b16.b8 v10, v7  }
0x61: {  	p1 =	por p2, p2;
	s16 =	rddreg [dreg:$0x7];
	s2 =	sor.u32 s15, s2;
	v7 =	vshrl.u32 v11, $0x8;
	v10 =	vshrl.u32 v15, $0x10;
	v47 =	vand.u32 $0xFF, v12  }
0x62: {  	s30 =	simm.s32 $0x0;
	s17 =	rddreg [dreg:$0x8];
	s2 =	sshrl.u32 s2, $0x2;
	v51 =	vand.u32 $0xFF, v13;
	v13 =	vand.u32 $0xFF, v17;
	v12 =	vshrl.u32 v11, $0x18  }
0x63: {  	[dreg:$0xa] =	wrdreg s8;
	s19 =	sadd.s32 s2, s8;
	s22 =	sadd.s32 s2, s16;
	v17 =	vand.u32 $0xFF, v11;
	v11 =	vshrl.u32 v15, $0x18;
	v15 =	vand.u32 $0xFF, v15  }
0x64: {  	s6 =	sadd.s32 s2, s17;
	s23 =	sadd.s32 s2, s18;
	s13 =	sadd.s32 s1, s19;
	v46 =	vpack.i.b32.b16 v53, v62;
	v49 =	vand.u32 $0xFF, v7;
	v7 =	vshrl.u32 v45, $0x10  }
0x65: {  	s24 =	sadd.s32 s21, s6;
	s4 =	sadd.s32 s1, s22;
	s3 =	sadd.s32 s1, s6;
	v52 =	vand.u32 $0xFF, v10;
	v10 =	vshrl.u32 v8, $0x18;
	v8 =	vshrl.u32 v21, $0x18  }
0x66: {  	s31 =	sadd.s32 s1, s23;
	s28 =	sadd.s32 s0, s19;
	s2 =	sadd.s32 s0, s22;
	v48 =	vpack.i.b32.b16 v47, v56;
	v47 =	vpack.i.b32.b16 v51, v59;
	[tilespmem:s24+$0x0] =	vst v42;
	v42 =	vpack.i.b32.b16 v58, v63  }
0x67: {  	s27 =	sadd.s32 s0, s6;
	s14 =	sadd.s32 s0, s23;
	s15 =	sadd.s32 s5, s19;
	v51 =	vpack.i.b32.b16 v57, v55;
	v23 =	vand.u32 $0xFF, v7;
	v7 =	vand.u32 $0xFF, v21  }
0x68: {  	s0 =	sadd.s32 s5, s22;
	s1 =	sadd.s32 s5, s6;
	s26 =	sadd.s32 s5, s23;
	v21 =	vshrl.u32 v24, $0x18;
	v24 =	vshrl.u32 v32, $0x18;
	v32 =	vshrl.u32 v35, $0x18  }
0x69: {  	s8 =	sadd.s32 s21, s19;
	s6 =	sadd.s32 s21, s22;
	s9 =	sadd.s32 s21, s23;
	v35 =	vshrl.u32 v45, $0x18;
	v49 =	vpack.i.b32.b16 v49, v60;
	v45 =	vpack.i.b32.b16 v52, v61  }
.LBB1_5:
0x6a: {  	s30 =	sadd.s32 $0x200, s30  }
0x6b: {  	s5 =	rddreg [dreg:$0x3];
	s20 =	sadd.s32 $0x100, s20;
	s12 =	sand.u32 $0xC00, s30  }
0x6c: {  	[dreg:$0xf] =	wrdreg s14;
	v13 =	vpack.i.b32.b16 v16, v13;
	s11 =	sand.u32 $0x100, s20;
	s5 =	sor.u32 s5, s12  }
0x6d: {  	[dreg:$0xd] =	wrdreg s8;
	v10 =	vpack.i.b32.b16 v10, v38;
	v16 =	vpack.i.b32.b16 v17, v43;
	v17 =	vpack.i.b32.b16 v26, v19;
	s18 =	sor.u32 $0xC0, s11;
	s24 =	sshrl.u32 s5, $0x2  }
0x6e: {  	v14 =	vpack.i.b32.b16 v22, v14;
	v12 =	vpack.i.b32.b16 v12, v40;
	s23 =	rddreg [dreg:$0x4];
	v15 =	vpack.i.b32.b16 v15, v44;
	s5 =	sshrl.u32 s18, $0x2;
	s10 =	sadd.s32 s24, s7  }
0x6f: {  	v19 =	vpack.i.b32.b16 v30, v20;
	v18 =	vpack.i.b32.b16 v23, v18;
	v11 =	vpack.i.b32.b16 v11, v39;
	s19 =	rddreg [dreg:$0x5];
	s7 =	sadd.s32 s24, s23;
	s16 =	sadd.s32 s5, s10  }
0x70: {  	v20 =	vpack.i.b32.b16 v7, v41;
	v4 =	vpack.i.b32.b16 v25, v4;
	v22 =	vpack.i.b32.b16 v33, v27;
	s8 =	sor.u32 $0x40, s11;
	s17 =	sadd.s32 s24, s25;
	s22 =	sadd.s32 s5, s7;
	v26 =	vld [tilespmem:s16+$0x0]  }
0x71: {  	v2 =	vpack.i.b32.b16 v6, v2;
	v1 =	vpack.i.b32.b16 v5, v1;
	v6 =	vpack.i.b16.b8 v48, v51;
	s14 =	sshrl.u32 s8, $0x2;
	s8 =	sadd.s32 s24, s19;
	s23 =	sadd.s32 s5, s17;
	v5 =	vld [tilespmem:s22+$0x0]  }
0x72: {  	[dreg:$0xc] =	wrdreg s9;
	v21 =	vpack.i.b32.b16 v31, v21;
	v13 =	vpack.i.b16.b8 v50, v13;
	[tilespmem:s4+$0x0] =	vst v6;
	s9 =	sshrl.u32 s11, $0x2;
	s24 =	sadd.s32 s5, s8;
	v7 =	vld.idx.msk [tilespmem:v0+s23+$0x0 ss:$0x1], $0xffff  }
0x73: {  	v3 =	vpack.i.b32.b16 v8, v3;
	v8 =	vpack.i.b32.b16 v36, v29;
	v23 =	vpack.i.b32.b16 v32, v24;
	s21 =	sor.u32 $0x80, s11;
	[tilespmem:s3+$0x0] =	vst v13;
	s18 =	sadd.s32 s9, s17;
	v6 =	vld [tilespmem:s24+$0x0]  }
0x74: {  	[dreg:$0xe] =	wrdreg s15;
	v25 =	vpack.i.b32.b16 v35, v28;
	v13 =	vpack.i.b16.b8 v16, v8;
	v16 =	vpack.i.b16.b8 v12, v23;
	s15 =	sshrl.u32 s21, $0x2;
	s4 =	sadd.s32 s14, s17;
	v12 =	vld.idx.msk [tilespmem:v0+s18+$0x0 ss:$0x1], $0xffff  }
0x75: {  	v24 =	vpack.i.b32.b16 v37, v34;
	v17 =	vpack.i.b16.b8 v49, v17;
	v23 =	vpack.i.b16.b8 v11, v25;
	s17 =	sadd.s32 s15, s17;
	v11 =	vld.idx.msk [tilespmem:v0+s4+$0x0 ss:$0x1], $0xffff  }
0x76: {  	v14 =	vpack.i.b16.b8 v47, v14;
	v19 =	vpack.i.b16.b8 v46, v19;
	v18 =	vpack.i.b16.b8 v45, v18;
	s3 =	sadd.s32 s9, s7;
	v8 =	vld.idx.msk [tilespmem:v0+s17+$0x0 ss:$0x1], $0xffff  }
0x77: {  	[dreg:$0x10] =	wrdreg s13;
	v22 =	vpack.i.b16.b8 v42, v22;
	v10 =	vpack.i.b16.b8 v10, v21;
	v21 =	vpack.i.b16.b8 v9, v4;
	s19 =	sadd.s32 s9, s8;
	[tilespmem:s2+$0x0] =	vst v17;
	v28 =	vld [tilespmem:s3+$0x0]  }
0x78: {  	v15 =	vpack.i.b16.b8 v15, v24;
	v20 =	vpack.i.b16.b8 v20, v2;
	v25 =	vpack.i.b16.b8 v3, v1;
	s21 =	rddreg [dreg:$0x6];
	s16 =	sadd.s32 s9, s10;
	s18 =	sadd.s32 s14, s10;
	[tilespmem:s27+$0x0] =	vst v14;
	v29 =	vld [tilespmem:s19+$0x0]  }
0x79: {  	s23 =	sadd.s32 s14, s8;
	s24 =	sadd.s32 s15, s10;
	[tilespmem:s0+$0x0] =	vst v19;
	v24 =	vld [tilespmem:s16+$0x0];
	s16 =	sor.u32 s21, s12;
	v1 =	vshrl.u32 v26, $0x18;
	v3 =	vshrl.u32 v26, $0x8;
	v2 =	vand.u32 $0xFF, v26  }
0x7a: {  	s10 =	sadd.s32 s15, s8;
	s8 =	rddreg [dreg:$0x8];
	[tilespmem:s6+$0x0] =	vst v21;
	s0 =	sshrl.u32 s16, $0x2;
	v9 =	vshrl.u32 v5, $0x8;
	v14 =	vshrl.u32 v26, $0x10;
	v17 =	vshrl.u32 v5, $0x10  }
0x7b: {  	s22 =	sadd.s32 s14, s7;
	v32 =	vld [tilespmem:s18+$0x0];
	[tilespmem:s31+$0x0] =	vst v10;
	s21 =	sadd.s32 s0, s8;
	s8 =	rddreg [dreg:$0x10];
	v19 =	vshrl.u32 v6, $0x10;
	v26 =	vshrl.u32 v7, $0x10;
	v21 =	vshrl.u32 v12, $0x10  }
0x7c: {  	v34 =	vld [tilespmem:s22+$0x0];
	[tilespmem:s8+$0x0] =	vst v22;
	v10 =	vshrl.u32 v11, $0x8;
	v22 =	vshrl.u32 v8, $0x8;
	v27 =	vshrl.u32 v7, $0x8  }
0x7d: {  	[tilespmem:s1+$0x0] =	vst v18;
	v35 =	vld [tilespmem:s23+$0x0];
	v30 =	vshrl.u32 v28, $0x10;
	v31 =	vshrl.u32 v28, $0x8;
	v33 =	vshrl.u32 v29, $0x10  }
0x7e: {  	s11 =	sadd.s32 s15, s7;
	v37 =	vld [tilespmem:s24+$0x0];
	v60 =	vshrl.u32 v29, $0x8;
	v43 =	vshrl.u32 v6, $0x8;
	v58 =	vand.u32 $0xFF, v12  }
0x7f: {  	v41 =	vld [tilespmem:s11+$0x0];
	v38 =	vshrl.u32 v28, $0x18;
	v4 =	vand.u32 $0xFF, v3;
	v3 =	vshrl.u32 v5, $0x18  }
0x80: {  	v42 =	vld [tilespmem:s10+$0x0];
	v9 =	vand.u32 $0xFF, v9;
	v14 =	vand.u32 $0xFF, v14;
	v17 =	vand.u32 $0xFF, v17  }
0x81: {  	s22 =	rddreg [dreg:$0xe];
	[tilespmem:s26+$0x0] =	vst v23;
	v18 =	vand.u32 $0xFF, v19;
	v19 =	vand.u32 $0xFF, v26;
	v26 =	vshrl.u32 v24, $0x8  }
0x82: {  	s23 =	rddreg [dreg:$0xd];
	[tilespmem:s22+$0x0] =	vst v15;
	v61 =	vshrl.u32 v32, $0x10;
	v62 =	vshrl.u32 v32, $0x8;
	v15 =	vshrl.u32 v34, $0x10  }
0x83: {  	s24 =	rddreg [dreg:$0xc];
	[tilespmem:s23+$0x0] =	vst v20;
	v63 =	vshrl.u32 v34, $0x8;
	v45 =	vand.u32 $0xFF, v21;
	v21 =	vshrl.u32 v35, $0x10  }
0x84: {  	[tilespmem:s24+$0x0] =	vst v25;
	v23 =	vshrl.u32 v35, $0x8;
	v20 =	vshrl.u32 v37, $0x8;
	v25 =	vshrl.u32 v41, $0x10  }
0x85: {  	v44 =	vshrl.u32 v41, $0x8;
	v49 =	vand.u32 $0xFF, v10;
	v48 =	vshrl.u32 v42, $0x10  }
0x86: {  	s18 =	rddreg [dreg:$0xf];
	v50 =	vshrl.u32 v42, $0x8;
	v52 =	vand.u32 $0xFF, v22;
	v53 =	vand.u32 $0xFF, v27  }
0x87: {  	[tilespmem:s18+$0x0] =	vst v16;
	v55 =	vand.u32 $0xFF, v30;
	v56 =	vand.u32 $0xFF, v31;
	v16 =	vand.u32 $0xFF, v33  }
0x88: {  	v57 =	vand.u32 $0xFF, v60;
	v10 =	vshrl.u32 v12, $0x18;
	v27 =	vand.u32 $0xFF, v24  }
0x89: {  	v31 =	vshrl.u32 v29, $0x18;
	v33 =	vand.u32 $0xFF, v29;
	v29 =	vand.u32 $0xFF, v32  }
0x8a: {  	v40 =	vshrl.u32 v34, $0x18;
	v36 =	vand.u32 $0xFF, v35;
	v39 =	vshrl.u32 v41, $0x18  }
0x8b: {  	v14 =	vpack.i.b32.b16 v18, v14;
	v17 =	vpack.i.b32.b16 v19, v17;
	v18 =	vshrl.u32 v12, $0x8  }
0x8c: {  	v19 =	vshrl.u32 v11, $0x10;
	v54 =	vand.u32 $0xFF, v26;
	v59 =	vand.u32 $0xFF, v15  }
0x8d: {  	v60 =	vand.u32 $0xFF, v63;
	v22 =	vand.u32 $0xFF, v21;
	v26 =	vand.u32 $0xFF, v23  }
0x8e: {  	v12 =	vshrl.u32 v11, $0x18;
	v20 =	vand.u32 $0xFF, v20;
	v23 =	vand.u32 $0xFF, v48  }
0x8f: {  	v30 =	vand.u32 $0xFF, v50;
	v15 =	vand.u32 $0xFF, v8;
	v21 =	vshrl.u32 v24, $0x18  }
0x90: {  	v63 =	vand.u32 $0xFF, v28;
	v28 =	vshrl.u32 v37, $0x18;
	v50 =	vpack.i.b32.b16 v45, v55  }
0x91: {  	v9 =	vpack.i.b32.b16 v53, v9;
	v14 =	vpack.i.b16.b8 v17, v14;
	v17 =	vshrl.u32 v8, $0x10  }
0x92: {  	s13 =	rddreg [dreg:$0x7];
	v46 =	vand.u32 $0xFF, v18;
	v18 =	vshrl.u32 v37, $0x10;
	v47 =	vand.u32 $0xFF, v19  }
0x93: {  	s29 =	sadd.s32 $0x40, s29;
	s17 =	rddreg [dreg:$0x9];
	v19 =	vand.u32 $0xFF, v62;
	v62 =	vand.u32 $0xFF, v44;
	v44 =	vand.u32 $0xFF, v41  }
0x94: {  	p2 =	slt.u32 s29, $0x1C0;
	s19 =	rddreg [dreg:$0xa];
	s16 =	sadd.s32 s5, s21;
	v41 =	vand.u32 $0xFF, v5;
	v5 =	vshrl.u32 v6, $0x18;
	v6 =	vand.u32 $0xFF, v6  }
0x95: {  	s6 =	sadd.s32 s0, s19;
	s7 =	sadd.s32 s0, s13;
	s12 =	sadd.s32 s0, s17;
	v49 =	vpack.i.b32.b16 v49, v60;
	[tilespmem:s16+$0x0] =	vst v14;
	v14 =	vshrl.u32 v24, $0x10;
	v51 =	vand.u32 $0xFF, v17  }
0x96: {  	s13 =	sadd.s32 s9, s6;
	s4 =	sadd.s32 s9, s7;
	s3 =	sadd.s32 s9, s21;
	v17 =	vand.u32 $0xFF, v11;
	v18 =	vand.u32 $0xFF, v18;
	v11 =	vshrl.u32 v8, $0x18  }
0x97: {  	s31 =	sadd.s32 s9, s12;
	s2 =	sadd.s32 s14, s7;
	s27 =	sadd.s32 s14, s21;
	v8 =	vshrl.u32 v7, $0x18;
	v7 =	vand.u32 $0xFF, v7;
	v24 =	vshrl.u32 v32, $0x18  }
.Ltmp3:
0x98: {  	[tilespmem:s28+$0x0] =	vst v13;
	s28 =	sadd.s32 s14, s6;
	s17 =	sadd.s32 s15, s6;
	v32 =	vshrl.u32 v35, $0x18;
	v35 =	vshrl.u32 v42, $0x18;
	v48 =	vpack.i.b32.b16 v46, v56;
	(pc) =	sbr.rel @p2 .LBB1_5-.Ltmp3, $4  }
0x99: {  	s0 =	sadd.s32 s15, s7;
	s14 =	sadd.s32 s14, s12;
	s1 =	sadd.s32 s15, s21;
	v47 =	vpack.i.b32.b16 v47, v59;
	v46 =	vpack.i.b32.b16 v52, v62;
	v13 =	vand.u32 $0xFF, v14  }
0x9a: {  	s19 =	sadd.s32 s15, s12;
	s21 =	sadd.s32 s5, s6;
	s6 =	sadd.s32 s5, s7;
	v14 =	vand.u32 $0xFF, v61;
	v61 =	vand.u32 $0xFF, v25;
	v25 =	vand.u32 $0xFF, v43  }
0x9b: {  	s7 =	rddreg [dreg:$0xb];
	s5 =	sadd.s32 s5, s12;
	s15 =	smov.u32 s17;
	v43 =	vand.u32 $0xFF, v34;
	v34 =	vand.u32 $0xFF, v37;
	v37 =	vand.u32 $0xFF, v42  }
0x9c: {  	s26 =	smov.u32 s19;
	s8 =	smov.u32 s21;
	s9 =	smov.u32 s5;
	v42 =	vpack.i.b32.b16 v58, v63;
	v45 =	vpack.i.b32.b16 v51, v61;
	v51 =	vpack.i.b32.b16 v57, v54  }
0x9d: {  	v13 =	vpack.i.b32.b16 v16, v13;
	v48 =	vpack.i.b16.b8 v48, v51  }
0x9e: {  	v19 =	vpack.i.b32.b16 v26, v19;
	v13 =	vpack.i.b16.b8 v50, v13;
	[tilespmem:s4+$0x0] =	vst v48  }
0x9f: {  	v4 =	vpack.i.b32.b16 v25, v4;
	v49 =	vpack.i.b16.b8 v49, v19;
	[tilespmem:s3+$0x0] =	vst v13  }
0xa0: {  	v14 =	vpack.i.b32.b16 v22, v14;
	v4 =	vpack.i.b16.b8 v9, v4;
	[tilespmem:s2+$0x0] =	vst v49  }
0xa1: {  	v50 =	vpack.i.b32.b16 v30, v20;
	v14 =	vpack.i.b16.b8 v47, v14;
	[tilespmem:s6+$0x0] =	vst v4  }
0xa2: {  	v7 =	vpack.i.b32.b16 v7, v41;
	v2 =	vpack.i.b32.b16 v6, v2;
	v13 =	vpack.i.b16.b8 v46, v50;
	[tilespmem:s27+$0x0] =	vst v14  }
0xa3: {  	v51 =	vpack.i.b32.b16 v23, v18;
	v2 =	vpack.i.b16.b8 v7, v2;
	[tilespmem:s0+$0x0] =	vst v13  }
0xa4: {  	v53 =	vpack.i.b32.b16 v33, v27;
	v52 =	vpack.i.b16.b8 v45, v51;
	[tilespmem:s8+$0x0] =	vst v2  }
0xa5: {  	v56 =	vpack.i.b32.b16 v17, v43;
	v57 =	vpack.i.b32.b16 v36, v29;
	v13 =	vpack.i.b16.b8 v42, v53;
	[tilespmem:s1+$0x0] =	vst v52  }
0xa6: {  	v3 =	vpack.i.b32.b16 v8, v3;
	v1 =	vpack.i.b32.b16 v5, v1;
	v4 =	vpack.i.b16.b8 v56, v57;
	[tilespmem:s13+$0x0] =	vst v13  }
0xa7: {  	v54 =	vpack.i.b32.b16 v10, v38;
	v55 =	vpack.i.b32.b16 v31, v21;
	v1 =	vpack.i.b16.b8 v3, v1;
	[tilespmem:s28+$0x0] =	vst v4  }
.Ltmp4:
0xa8: {  	v58 =	vpack.i.b32.b16 v12, v40;
	v59 =	vpack.i.b32.b16 v32, v24;
	v9 =	vpack.i.b16.b8 v54, v55;
	[tilespmem:s9+$0x0] =	vst v1;
	(pc) =	sbr.rel @p1 .LBB1_4-.Ltmp4, $4  }
0xa9: {  	v60 =	vpack.i.b32.b16 v15, v44;
	v61 =	vpack.i.b32.b16 v37, v34;
	v10 =	vpack.i.b16.b8 v58, v59;
	[tilespmem:s31+$0x0] =	vst v9  }
0xaa: {  	v62 =	vpack.i.b32.b16 v11, v39;
	v63 =	vpack.i.b32.b16 v35, v28;
	v9 =	vpack.i.b16.b8 v60, v61;
	[tilespmem:s14+$0x0] =	vst v10  }
0xab: {  	v4 =	vpack.i.b16.b8 v62, v63;
	[tilespmem:s15+$0x0] =	vst v9  }
0xac: {  	p2 =	por $0x0, $0x0;
	s0 =	simm.s32 $0x4;
	[tilespmem:s26+$0x0] =	vst v4  }
.Ltmp5:
0xad: {  	(pc) =	sbr.rel @p0 .LBB1_3-.Ltmp5, $2  }
0xae: {  	_ =	sdelay $0x2  }
0xaf: {  	s0 =	simm.s32 $0x4;
	p1 =	por $0x0, $0x0  }
0xb0: {  	s5 =	rddreg [dreg:$0x18]  }
0xb1: {  	s1 =	rddreg [dreg:$0x1b]  }
0xb2: {  	s26 =	rddreg [dreg:$0x1a]  }
0xb3: {  	s27 =	rddreg [dreg:$0x19]  }
0xb4: {  	s4 =	rddreg [dreg:$0x1]  }
0xb5: {  	s31 =	rddreg [dreg:$0x1c]  }
0xb6: {  	s6 =	rddreg [dreg:$0x12]  }
0xb7: {  	s7 =	rddreg [dreg:$0x13]  }
0xb8: {  	s8 =	rddreg [dreg:$0x14]  }
0xb9: {  	s30 =	simm.s32 $0x1000;
	s9 =	rddreg [dreg:$0x15]  }
0xba: {  	s10 =	rddreg [dreg:$0x16];
	s0 =	sshll.u32 s5, $0x3;
	s1 =	sshll.u32 s1, $0x7  }
0xbb: {  	s2 =	sshll.u32 s5, $0x2;
	s1 =	sand.u32 $0x200, s1;
	s0 =	sand.u32 $0x400, s0  }
0xbc: {  	s11 =	rddreg [dreg:$0x17];
	s2 =	sand.u32 $0x1E0, s2;
	s0 =	sor.u32 s1, s0  }
0xbd: {  	s3 =	sshrl.u32 s5, $0x2;
	s1 =	sshll.u32 s26, $0xC;
	s0 =	sor.u32 s2, s0  }
.Ltmp6:
0xbe: {  	s2 =	sshll.u32 s27, $0x9;
	s1 =	sadd.s32 s4, s1;
	(pc) =	sbr.rel .LBB1_9-.Ltmp6, $4  }
0xbf: {  	s28 =	sand.u32 $0x7, s5;
	s3 =	sand.u32 $0x1C0, s3;
	s1 =	sadd.s32 s2, s1  }
0xc0: {  	s0 =	sshrl.u32 s0, $0x5;
	s2 =	sshll.u32 s28, $0x12;
	s1 =	sadd.s32 s3, s1  }
0xc1: {  	s5 =	rddreg [dreg:$0x11];
	s29 =	sor.u32 $0x400, s2;
	s0 =	sadd.s32 s0, s1  }
0xc2: {  	[hbm4b:s0+s29] =	stream.strided.scatter [tilespmem:s31], [sflag:$0x2], $0x2000, s30, s29, $0x38;
	[tilespmem:$0x8000] =	vst v63  }
.LBB1_10:
0xc3: {  	_ =	sfence.sel $0x180000  }
0xc4: {  	s0 =	simm.s32 $0x1;
	[bflag:$0x0] =	sbarrier.arrive $0xFFFF  }
0xc5: {  	s30 =	simm.s32 $0x2;
	[sflag:s0] =	ssyncpa.u1 $0x1  }
0xc6: {  	[sflag:s30] =	ssyncpa.u1 $0x1  }
0xc7: {  	_ =	strace $0x90000047  }
0xc8: {  	s31 =	stileid.u32;
	[bflag:$0x2] =	sbarrier.arrive $0xFFFF  }
0xc9: {  	p0 =	sne.s32 s31, $0x0;
	s0 =	rddreg [dreg:$0x2]  }
0xca: {  	s0 =	sadd.s32 @!p0 $0x100000, s0  }
0xcb: {  	[sflag:s0] =	ssyncadd.tile.s32 @!p0 $0x1;
	_ =	shalt  }
.Lfunc_end1:
_tile_overlayer_lowered:
.L_overlay_start_2:
0xcc: {  	(tag) =	ssettag $0x2  }
0xcd: {  	s0 =	rddreg [dreg:$0x0];
	s2 =	stileid.u32  }
0xce: {  	s1 =	rddreg [dreg:$0x1];
	p0 =	sne.s32 s2, $0x0  }
0xcf: {  	s3 =	rddreg [dreg:$0x2];
	[bflag:$0x3] =	sbarrier.arrive $0xFFFF;
	s2 =	simm.s32 @!p0 $0x1C01  }
0xd0: {  	[timem:s3], [sflag:s2] =	dma.local @!p0 [hbm:s0], s1  }
0xd1: {  	s0 =	simm.s32 @!p0 $0x1  }
0xd2: {  	_ =	swait.ge @!p0 [sflag:s0], s1  }
0xd3: {  	s1 =	ssub.s32 @!p0 $0x0, s1;
	[sflag:s0] =	ssyncset.done @!p0 $0x0  }
0xd4: {  	[sflag:s0] =	ssyncadd.s32 @!p0 s1  }
0xd5: {  	[bflag:$0x3] =	sbarrier.arrive $0xFFFF  }
0xd6: {  	_ =	shalt  }

</sc_bundles>
